<compile_context>
chip_gen: v7x
topology: tpu7x:2x2x1
jax: 0.10.2.dev20260603
libtpu: 0.0.44.dev20260713+nightly
codegen_flags: <defaults>
</compile_context>

<pallas_src>
import functools

import jax
import jax.numpy as jnp
from jax import lax
from jax.experimental import pallas as pl
from jax.experimental.pallas import tpu as pltpu
from jax.experimental.pallas import tpu_sc as plsc

B = 64
D = 1024
R = 1024
CD = 64
K = 1024
BR = 1024
NSTEP = R // BR

_SC_INFO = plsc.get_sparse_core_info()
_NC = _SC_INFO.num_cores
_NS = _SC_INFO.num_subcores
_NW = _NC * _NS
_BPW = R // _NW
_OPW = _BPW // 16
_WPS = BR // _BPW


def _bf16_gather(oh, c1, c2, c3):
    def mm(a, b):
        return jax.lax.dot_general(a, b, (((1,), (0,)), ((), ())),
                                   preferred_element_type=jnp.float32)
    return mm(oh, c1) + mm(oh, c2) + mm(oh, c3)


def _vq_dense_body(x_ref, c_ref, cb_ref, idx_ref, ctab_ref, loss_ref):
    x = x_ref[...]
    c = c_ref[...]
    dot = jax.lax.dot_general(x, c, (((1,), (1,)), ((), ())),
                              preferred_element_type=jnp.float32,
                              precision=jax.lax.Precision.HIGHEST)
    ones = jnp.ones((8, CD), jnp.float32)
    nc8 = jax.lax.dot_general(ones, c * c, (((1,), (1,)), ((), ())),
                              preferred_element_type=jnp.float32,
                              precision=jax.lax.Precision.HIGHEST)
    nc = nc8[0:1, :]
    scores = nc - 2.0 * dot

    iota_k = jax.lax.broadcasted_iota(jnp.int32, (BR, K), 1)

    m1 = jnp.min(scores, axis=1, keepdims=True)
    i1 = jnp.min(jnp.where(scores == m1, iota_k, K), axis=1, keepdims=True)

    masked = jnp.where(iota_k == i1, jnp.inf, scores)
    m2 = jnp.min(masked, axis=1, keepdims=True)
    i2 = jnp.min(jnp.where(masked == m2, iota_k, K), axis=1, keepdims=True)

    c1 = c.astype(jnp.bfloat16)
    r1_ = c - c1.astype(jnp.float32)
    c2 = r1_.astype(jnp.bfloat16)
    c3 = (r1_ - c2.astype(jnp.float32)).astype(jnp.bfloat16)

    oh1 = (iota_k == i1).astype(jnp.bfloat16)
    oh2 = (iota_k == i2).astype(jnp.bfloat16)
    q1 = _bf16_gather(oh1, c1, c2, c3)
    q2 = _bf16_gather(oh2, c1, c2, c3)

    d1 = jnp.sum((x - q1) ** 2, axis=1, keepdims=True)
    d2 = jnp.sum((x - q2) ** 2, axis=1, keepdims=True)
    s1 = jnp.sqrt(d1)
    s2 = jnp.sqrt(d2)
    use2 = (s2 < s1) | ((s2 == s1) & (i2 < i1))

    ifin = jnp.where(use2, i2, i1)
    idx_ref[...] = ifin.reshape(1, 1, BR)

    cb = cb_ref[...]
    ctab_ref[...] = jnp.concatenate([cb, cb], axis=1)

    d = jnp.where(use2, d2, d1)
    blk = 1.25 * jnp.sum(d) / (R * CD)

    @pl.when(pl.program_id(0) == 0)
    def _init():
        loss_ref[0, 0] = 0.0

    loss_ref[0, 0] += blk


def _dense_stage(x, codebook):
    return pl.pallas_call(
        _vq_dense_body,
        grid=(NSTEP,),
        out_shape=(
            jax.ShapeDtypeStruct((NSTEP, 1, BR), jnp.int32),
            jax.ShapeDtypeStruct((K, 128), jnp.float32),
            jax.ShapeDtypeStruct((1, 1), jnp.float32),
        ),
        in_specs=(
            pl.BlockSpec((BR, CD), lambda i: (i, 0)),
            pl.BlockSpec((K, CD), lambda i: (0, 0)),
            pl.BlockSpec((BR, CD), lambda i: (i, 0)),
        ),
        out_specs=(
            pl.BlockSpec((1, 1, BR), lambda i: (i, 0, 0)),
            pl.BlockSpec((BR, 128), lambda i: (i, 0)),
            pl.BlockSpec(memory_space=pltpu.SMEM),
        ),
    )(x, codebook, codebook)


def _sc_gather_body(ctab_hbm, idx_hbm, out_hbm, idx_v, rows_v, cmp_v, sem):
    wid = lax.axis_index("s") * _NC + lax.axis_index("c")
    step = wid // _WPS
    lane = (wid % _WPS) * _BPW
    pltpu.sync_copy(idx_hbm.at[step, 0, pl.ds(lane, _BPW)], idx_v)
    pltpu.async_copy(ctab_hbm.at[idx_v], rows_v, sem).wait()
    for r in range(_BPW):
        for ch in range(CD // 16):
            cmp_v[r // 16, pl.ds((r % 16) * CD + ch * 16, 16)] = (
                rows_v[r, pl.ds(ch * 16, 16)])
    pltpu.sync_copy(cmp_v, out_hbm.at[pl.ds(wid * _OPW, _OPW)])


_sc_gather = functools.partial(
    pl.kernel,
    out_type=jax.ShapeDtypeStruct((B, D), jnp.float32),
    mesh=plsc.VectorSubcoreMesh(core_axis_name="c", subcore_axis_name="s"),
    scratch_types=[
        pltpu.VMEM((_BPW,), jnp.int32),
        pltpu.VMEM((_BPW, 128), jnp.float32),
        pltpu.VMEM((_OPW, D), jnp.float32),
        pltpu.SemaphoreType.DMA,
    ],
)(_sc_gather_body)


def kernel(latents, codebook):
    x = latents.reshape(R, CD)
    idx, ctab, loss = _dense_stage(x, codebook)
    out = _sc_gather(ctab, idx)
    return out, loss[0, 0]

# --- scband reference (transcript-rebuilt; emitter-appended) ---
"""Pipeline reference for scband-vector-quantizer-19464791785678 (READ-ONLY COPY).

The authoritative reference and input builder live on the scoring server;
editing this copy changes nothing except your own understanding.
"""

import jax, jax.numpy as jnp
import numpy as np

B = 64
D = 1024
K = 1024
CD = D // 16  # 64
COMMITMENT_COST = 0.25


def setup_inputs(seed: int = 0) -> dict:
    key = jax.random.key(seed)
    k1, k2 = jax.random.split(key)
    latents = jax.random.normal(k1, (B, D), dtype=jnp.float32)
    codebook = jax.random.normal(k2, (K, CD), dtype=jnp.float32)
    return {"latents": latents, "codebook": codebook}


def reference(latents, codebook):
    # latents.reshape(B, -1, D // 16)
    lat = latents.reshape(latents.shape[0], -1, latents.shape[-1] // 16)  # [B, 16, CD]
    # pairwise distance: [B, 16, K]
    sub = lat[:, :, None, :] - codebook[None, None, :, :]  # [B, 16, K, CD]
    dist = jnp.linalg.norm(sub, axis=-1)
    encoding_inds = jnp.argmin(dist, axis=-1)  # [B, 16]
    quantized = jnp.take(codebook, encoding_inds, axis=0)  # [B, 16, CD]
    codebook_loss = jnp.mean((jax.lax.stop_gradient(lat) - quantized) ** 2)
    commitment_loss = jnp.mean((lat - jax.lax.stop_gradient(quantized)) ** 2)
    vq_loss = codebook_loss + COMMITMENT_COST * commitment_loss
    quantized_st = lat + jax.lax.stop_gradient(quantized - lat)
    out = quantized_st.reshape(quantized_st.shape[0], quantized_st.shape[-1] * quantized_st.shape[-2])
    return out, vq_loss

if __name__ == "__main__":
    import jax
    _d = setup_inputs()
    print(jax.jit(kernel)(*tuple(_d.values())))

</pallas_src>

<mosaic_0001>
#map = affine_map<(d0, d1) -> (0, 0)>
#map1 = affine_map<(d0, d1) -> (0, 0, 0)>
module attributes {stable_mosaic.version = 14 : i64} {
  func.func @_sc_gather_body(%arg0: i32, %arg1: i32, %arg2: memref<1024x128xf32, #tpu.memory_space<hbm>>, %arg3: memref<1x1x1024xi32, #tpu.memory_space<hbm>>, %arg4: memref<64x1024xf32, #tpu.memory_space<hbm>>, %arg5: memref<32xi32, #tpu.memory_space<vmem>>, %arg6: memref<32x128xf32, #tpu.memory_space<vmem>>, %arg7: memref<2x1024xf32, #tpu.memory_space<vmem>>, %arg8: memref<!tpu.dma_semaphore, #tpu.memory_space<semaphore_mem>>) attributes {dimension_semantics = [#tpu.dimension_semantics<core_parallel>, #tpu.dimension_semantics<subcore_parallel>], iteration_bounds = array<i64: 2, 16>, scalar_prefetch = 0 : i64, scratch_operands = 4 : i64, tpu.core_type = #tpu.core_type<sc_vector_subcore>, window_params = [{transform_indices = #map}, {transform_indices = #map1}, {transform_indices = #map}]} {
    %mul3A = arith.constant 2 : i32
    %mul3A_0 = arith.muli %arg1, %mul3A : i32
    %add3A = arith.addi %mul3A_0, %arg0 : i32
    %jit3A = arith.constant 32 : i32
    %div3A = arith.divsi %add3A, %jit3A : i32
    %sign3A = arith.constant 0 : i32
    %sign3A_1 = arith.cmpi sgt, %add3A, %sign3A : i32
    %sign3A_2 = arith.extui %sign3A_1 : i1 to i32
    %sign3A_3 = arith.constant 0 : i32
    %sign3A_4 = arith.cmpi slt, %add3A, %sign3A_3 : i32
    %sign3A_5 = arith.extui %sign3A_4 : i1 to i32
    %sign3A_6 = arith.subi %sign3A_2, %sign3A_5 : i32
    %sign3A_7 = arith.constant 0 : i32
    %sign3A_8 = arith.cmpi sgt, %jit3A, %sign3A_7 : i32
    %sign3A_9 = arith.extui %sign3A_8 : i1 to i32
    %sign3A_10 = arith.constant 0 : i32
    %sign3A_11 = arith.cmpi slt, %jit3A, %sign3A_10 : i32
    %sign3A_12 = arith.extui %sign3A_11 : i1 to i32
    %sign3A_13 = arith.subi %sign3A_9, %sign3A_12 : i32
    %ne3A = arith.cmpi ne, %sign3A_6, %sign3A_13 : i32
    %rem3A = arith.remsi %add3A, %jit3A : i32
    %ne3A_14 = arith.constant 0 : i32
    %ne3A_15 = arith.cmpi ne, %rem3A, %ne3A_14 : i32
    %and3A = arith.andi %ne3A, %ne3A_15 : i1
    %sub3A = arith.constant 1 : i32
    %sub3A_16 = arith.subi %div3A, %sub3A : i32
    %select_n3A = arith.select %and3A, %sub3A_16, %div3A : i32
    %jit3A_17 = arith.constant 32 : i32
    %eq3A = arith.constant 0 : i32
    %eq3A_18 = arith.cmpi eq, %jit3A_17, %eq3A : i32
    %jit3A_19 = arith.constant 1 : i32
    %select_n3A_20 = arith.select %eq3A_18, %jit3A_19, %jit3A_17 : i32
    %rem3A_21 = arith.remsi %add3A, %select_n3A_20 : i32
    %ne3A_22 = arith.constant 0 : i32
    %ne3A_23 = arith.cmpi ne, %rem3A_21, %ne3A_22 : i32
    %lt3A = arith.constant 0 : i32
    %lt3A_24 = arith.cmpi slt, %rem3A_21, %lt3A : i32
    %lt3A_25 = arith.constant 0 : i32
    %lt3A_26 = arith.cmpi slt, %select_n3A_20, %lt3A_25 : i32
    %ne3A_27 = arith.xori %lt3A_24, %lt3A_26 : i1
    %and3A_28 = arith.andi %ne3A_27, %ne3A_23 : i1
    %add3A_29 = arith.addi %rem3A_21, %select_n3A_20 : i32
    %select_n3A_30 = arith.select %and3A_28, %add3A_29, %rem3A_21 : i32
    %mul3A_31 = arith.constant 32 : i32
    %mul3A_32 = arith.muli %select_n3A_30, %mul3A_31 : i32
    %run_scoped3A = arith.constant 0 : i32
    "tpu.region"() ({
      %run_scoped3A_1445 = tpu.sem_alloc : memref<!tpu.dma_semaphore, #tpu.memory_space<semaphore_mem>>
      %dma_start3A_1446 = tpu.memref_slice %arg3[%select_n3A, %run_scoped3A, %mul3A_32] : memref<1x1x1024xi32, #tpu.memory_space<hbm>> -> memref<1x1x32xi32, #tpu.memory_space<hbm>>
      %dma_start3A_1447 = tpu.memref_squeeze %dma_start3A_1446 : memref<1x1x32xi32, #tpu.memory_space<hbm>> -> memref<32xi32, #tpu.memory_space<hbm>>
      %dma_start3A_1448 = tpu.memref_slice %arg3[%select_n3A, %run_scoped3A, %mul3A_32] : memref<1x1x1024xi32, #tpu.memory_space<hbm>> -> memref<1x1x32xi32, #tpu.memory_space<hbm>>
      %dma_start3A_1449 = tpu.memref_squeeze %dma_start3A_1448 : memref<1x1x32xi32, #tpu.memory_space<hbm>> -> memref<32xi32, #tpu.memory_space<hbm>>
      tpu.enqueue_dma source(%dma_start3A_1449 : memref<32xi32, #tpu.memory_space<hbm>>) target(%arg5 : memref<32xi32, #tpu.memory_space<vmem>>) target_semaphore(%run_scoped3A_1445 : memref<!tpu.dma_semaphore, #tpu.memory_space<semaphore_mem>>)
      %dma_wait3A_1450 = tpu.memref_slice %arg3[%select_n3A, %run_scoped3A, %mul3A_32] : memref<1x1x1024xi32, #tpu.memory_space<hbm>> -> memref<1x1x32xi32, #tpu.memory_space<hbm>>
      %dma_wait3A_1451 = tpu.memref_squeeze %dma_wait3A_1450 : memref<1x1x32xi32, #tpu.memory_space<hbm>> -> memref<32xi32, #tpu.memory_space<hbm>>
      %dma_wait3A_1452 = tpu.memref_slice %arg3[%select_n3A, %run_scoped3A, %mul3A_32] : memref<1x1x1024xi32, #tpu.memory_space<hbm>> -> memref<1x1x32xi32, #tpu.memory_space<hbm>>
      %dma_wait3A_1453 = tpu.memref_squeeze %dma_wait3A_1452 : memref<1x1x32xi32, #tpu.memory_space<hbm>> -> memref<32xi32, #tpu.memory_space<hbm>>
      tpu.wait_dma2 semaphore(%run_scoped3A_1445 : memref<!tpu.dma_semaphore, #tpu.memory_space<semaphore_mem>>) src(%dma_wait3A_1453 : memref<32xi32, #tpu.memory_space<hbm>>) dst(%arg5 : memref<32xi32, #tpu.memory_space<vmem>>)
      tpu.yield
    }) : () -> ()
    %dma_start3A = arith.constant 0 : i32
    %dma_start3A_33 = arith.constant 0 : i32
    %dma_start3A_34 = tpu.memref_slice %arg2[%dma_start3A, %dma_start3A_33] : memref<1024x128xf32, #tpu.memory_space<hbm>> -> memref<1024x128xf32, #tpu.memory_space<hbm>>
    tpu.enqueue_indirect_dma source(%dma_start3A_34 : memref<1024x128xf32, #tpu.memory_space<hbm>>) target(%arg6 : memref<32x128xf32, #tpu.memory_space<vmem>>) offsets(%arg5 : memref<32xi32, #tpu.memory_space<vmem>>) semaphore(%arg8 : memref<!tpu.dma_semaphore, #tpu.memory_space<semaphore_mem>>)
    %dma_wait3A = arith.constant 0 : i32
    %dma_wait3A_35 = arith.constant 0 : i32
    %dma_wait3A_36 = tpu.memref_slice %arg2[%dma_wait3A, %dma_wait3A_35] : memref<1024x128xf32, #tpu.memory_space<hbm>> -> memref<1024x128xf32, #tpu.memory_space<hbm>>
    tpu.wait_indirect_dma semaphore(%arg8 : memref<!tpu.dma_semaphore, #tpu.memory_space<semaphore_mem>>) src(%dma_wait3A_36 : memref<1024x128xf32, #tpu.memory_space<hbm>>) dst(%arg6 : memref<32x128xf32, #tpu.memory_space<vmem>>)
    %get3A = arith.constant 0 : i32
    %get3A_37 = arith.index_cast %get3A : i32 to index
    %get3A_38 = arith.constant 0 : index
    %get3A_39 = tpu.vector_load %arg6[%get3A_37, %get3A_38] {strides = array<i32>} : memref<32x128xf32, #tpu.memory_space<vmem>>, vector<1x16xf32>,
    %get3A_40 = vector.shape_cast %get3A_39 : vector<1x16xf32> to vector<16xf32>
    %swap3A = arith.constant 0 : i32
    %swap3A_41 = arith.index_cast %swap3A : i32 to index
    %swap3A_42 = arith.constant 0 : index
    %swap3A_43 = tpu.vector_load %arg7[%swap3A_41, %swap3A_42] {strides = array<i32>} : memref<2x1024xf32, #tpu.memory_space<vmem>>, vector<1x16xf32>,
    %swap3A_44 = vector.shape_cast %swap3A_43 : vector<1x16xf32> to vector<16xf32>
    %swap3A_45 = vector.shape_cast %get3A_40 : vector<16xf32> to vector<1x16xf32>
    tpu.vector_store %arg7[%swap3A_41, %swap3A_42], %swap3A_45 {strides = array<i32>} : memref<2x1024xf32, #tpu.memory_space<vmem>>, vector<1x16xf32>,
    %get3A_46 = arith.constant 0 : i32
    %get3A_47 = arith.index_cast %get3A_46 : i32 to index
    %get3A_48 = arith.constant 16 : index
    %get3A_49 = tpu.vector_load %arg6[%get3A_47, %get3A_48] {strides = array<i32>} : memref<32x128xf32, #tpu.memory_space<vmem>>, vector<1x16xf32>,
    %get3A_50 = vector.shape_cast %get3A_49 : vector<1x16xf32> to vector<16xf32>
    %swap3A_51 = arith.constant 0 : i32
    %swap3A_52 = arith.index_cast %swap3A_51 : i32 to index
    %swap3A_53 = arith.constant 16 : index
    %swap3A_54 = tpu.vector_load %arg7[%swap3A_52, %swap3A_53] {strides = array<i32>} : memref<2x1024xf32, #tpu.memory_space<vmem>>, vector<1x16xf32>,
    %swap3A_55 = vector.shape_cast %swap3A_54 : vector<1x16xf32> to vector<16xf32>
    %swap3A_56 = vector.shape_cast %get3A_50 : vector<16xf32> to vector<1x16xf32>
    tpu.vector_store %arg7[%swap3A_52, %swap3A_53], %swap3A_56 {strides = array<i32>} : memref<2x1024xf32, #tpu.memory_space<vmem>>, vector<1x16xf32>,
    %get3A_57 = arith.constant 0 : i32
    %get3A_58 = arith.index_cast %get3A_57 : i32 to index
    %get3A_59 = arith.constant 32 : index
    %get3A_60 = tpu.vector_load %arg6[%get3A_58, %get3A_59] {strides = array<i32>} : memref<32x128xf32, #tpu.memory_space<vmem>>, vector<1x16xf32>,
    %get3A_61 = vector.shape_cast %get3A_60 : vector<1x16xf32> to vector<16xf32>
    %swap3A_62 = arith.constant 0 : i32
    %swap3A_63 = arith.index_cast %swap3A_62 : i32 to index
    %swap3A_64 = arith.constant 32 : index
    %swap3A_65 = tpu.vector_load %arg7[%swap3A_63, %swap3A_64] {strides = array<i32>} : memref<2x1024xf32, #tpu.memory_space<vmem>>, vector<1x16xf32>,
    %swap3A_66 = vector.shape_cast %swap3A_65 : vector<1x16xf32> to vector<16xf32>
    %swap3A_67 = vector.shape_cast %get3A_61 : vector<16xf32> to vector<1x16xf32>
    tpu.vector_store %arg7[%swap3A_63, %swap3A_64], %swap3A_67 {strides = array<i32>} : memref<2x1024xf32, #tpu.memory_space<vmem>>, vector<1x16xf32>,
    %get3A_68 = arith.constant 0 : i32
    %get3A_69 = arith.index_cast %get3A_68 : i32 to index
    %get3A_70 = arith.constant 48 : index
    %get3A_71 = tpu.vector_load %arg6[%get3A_69, %get3A_70] {strides = array<i32>} : memref<32x128xf32, #tpu.memory_space<vmem>>, vector<1x16xf32>,
    %get3A_72 = vector.shape_cast %get3A_71 : vector<1x16xf32> to vector<16xf32>
    %swap3A_73 = arith.constant 0 : i32
    %swap3A_74 = arith.index_cast %swap3A_73 : i32 to index
    %swap3A_75 = arith.constant 48 : index
    %swap3A_76 = tpu.vector_load %arg7[%swap3A_74, %swap3A_75] {strides = array<i32>} : memref<2x1024xf32, #tpu.memory_space<vmem>>, vector<1x16xf32>,
    %swap3A_77 = vector.shape_cast %swap3A_76 : vector<1x16xf32> to vector<16xf32>
    %swap3A_78 = vector.shape_cast %get3A_72 : vector<16xf32> to vector<1x16xf32>
    tpu.vector_store %arg7[%swap3A_74, %swap3A_75], %swap3A_78 {strides = array<i32>} : memref<2x1024xf32, #tpu.memory_space<vmem>>, vector<1x16xf32>,
    %get3A_79 = arith.constant 1 : i32
    %get3A_80 = arith.index_cast %get3A_79 : i32 to index
    %get3A_81 = arith.constant 0 : index
    %get3A_82 = tpu.vector_load %arg6[%get3A_80, %get3A_81] {strides = array<i32>} : memref<32x128xf32, #tpu.memory_space<vmem>>, vector<1x16xf32>,
    %get3A_83 = vector.shape_cast %get3A_82 : vector<1x16xf32> to vector<16xf32>
    %swap3A_84 = arith.constant 0 : i32
    %swap3A_85 = arith.index_cast %swap3A_84 : i32 to index
    %swap3A_86 = arith.constant 64 : index
    %swap3A_87 = tpu.vector_load %arg7[%swap3A_85, %swap3A_86] {strides = array<i32>} : memref<2x1024xf32, #tpu.memory_space<vmem>>, vector<1x16xf32>,
    %swap3A_88 = vector.shape_cast %swap3A_87 : vector<1x16xf32> to vector<16xf32>
    %swap3A_89 = vector.shape_cast %get3A_83 : vector<16xf32> to vector<1x16xf32>
    tpu.vector_store %arg7[%swap3A_85, %swap3A_86], %swap3A_89 {strides = array<i32>} : memref<2x1024xf32, #tpu.memory_space<vmem>>, vector<1x16xf32>,
    %get3A_90 = arith.constant 1 : i32
    %get3A_91 = arith.index_cast %get3A_90 : i32 to index
    %get3A_92 = arith.constant 16 : index
    %get3A_93 = tpu.vector_load %arg6[%get3A_91, %get3A_92] {strides = array<i32>} : memref<32x128xf32, #tpu.memory_space<vmem>>, vector<1x16xf32>,
    %get3A_94 = vector.shape_cast %get3A_93 : vector<1x16xf32> to vector<16xf32>
    %swap3A_95 = arith.constant 0 : i32
    %swap3A_96 = arith.index_cast %swap3A_95 : i32 to index
    %swap3A_97 = arith.constant 80 : index
    %swap3A_98 = tpu.vector_load %arg7[%swap3A_96, %swap3A_97] {strides = array<i32>} : memref<2x1024xf32, #tpu.memory_space<vmem>>, vector<1x16xf32>,
    %swap3A_99 = vector.shape_cast %swap3A_98 : vector<1x16xf32> to vector<16xf32>
    %swap3A_100 = vector.shape_cast %get3A_94 : vector<16xf32> to vector<1x16xf32>
    tpu.vector_store %arg7[%swap3A_96, %swap3A_97], %swap3A_100 {strides = array<i32>} : memref<2x1024xf32, #tpu.memory_space<vmem>>, vector<1x16xf32>,
    %get3A_101 = arith.constant 1 : i32
    %get3A_102 = arith.index_cast %get3A_101 : i32 to index
    %get3A_103 = arith.constant 32 : index
    %get3A_104 = tpu.vector_load %arg6[%get3A_102, %get3A_103] {strides = array<i32>} : memref<32x128xf32, #tpu.memory_space<vmem>>, vector<1x16xf32>,
    %get3A_105 = vector.shape_cast %get3A_104 : vector<1x16xf32> to vector<16xf32>
    %swap3A_106 = arith.constant 0 : i32
    %swap3A_107 = arith.index_cast %swap3A_106 : i32 to index
    %swap3A_108 = arith.constant 96 : index
    %swap3A_109 = tpu.vector_load %arg7[%swap3A_107, %swap3A_108] {strides = array<i32>} : memref<2x1024xf32, #tpu.memory_space<vmem>>, vector<1x16xf32>,
    %swap3A_110 = vector.shape_cast %swap3A_109 : vector<1x16xf32> to vector<16xf32>
    %swap3A_111 = vector.shape_cast %get3A_105 : vector<16xf32> to vector<1x16xf32>
    tpu.vector_store %arg7[%swap3A_107, %swap3A_108], %swap3A_111 {strides = array<i32>} : memref<2x1024xf32, #tpu.memory_space<vmem>>, vector<1x16xf32>,
    %get3A_112 = arith.constant 1 : i32
    %get3A_113 = arith.index_cast %get3A_112 : i32 to index
    %get3A_114 = arith.constant 48 : index
    %get3A_115 = tpu.vector_load %arg6[%get3A_113, %get3A_114] {strides = array<i32>} : memref<32x128xf32, #tpu.memory_space<vmem>>, vector<1x16xf32>,
    %get3A_116 = vector.shape_cast %get3A_115 : vector<1x16xf32> to vector<16xf32>
    %swap3A_117 = arith.constant 0 : i32
    %swap3A_118 = arith.index_cast %swap3A_117 : i32 to index
    %swap3A_119 = arith.constant 112 : index
    %swap3A_120 = tpu.vector_load %arg7[%swap3A_118, %swap3A_119] {strides = array<i32>} : memref<2x1024xf32, #tpu.memory_space<vmem>>, vector<1x16xf32>,
    %swap3A_121 = vector.shape_cast %swap3A_120 : vector<1x16xf32> to vector<16xf32>
    %swap3A_122 = vector.shape_cast %get3A_116 : vector<16xf32> to vector<1x16xf32>
    tpu.vector_store %arg7[%swap3A_118, %swap3A_119], %swap3A_122 {strides = array<i32>} : memref<2x1024xf32, #tpu.memory_space<vmem>>, vector<1x16xf32>,
    %get3A_123 = arith.constant 2 : i32
    %get3A_124 = arith.index_cast %get3A_123 : i32 to index
    %get3A_125 = arith.constant 0 : index
    %get3A_126 = tpu.vector_load %arg6[%get3A_124, %get3A_125] {strides = array<i32>} : memref<32x128xf32, #tpu.memory_space<vmem>>, vector<1x16xf32>,
    %get3A_127 = vector.shape_cast %get3A_126 : vector<1x16xf32> to vector<16xf32>
    %swap3A_128 = arith.constant 0 : i32
    %swap3A_129 = arith.index_cast %swap3A_128 : i32 to index
    %swap3A_130 = arith.constant 128 : index
    %swap3A_131 = tpu.vector_load %arg7[%swap3A_129, %swap3A_130] {strides = array<i32>} : memref<2x1024xf32, #tpu.memory_space<vmem>>, vector<1x16xf32>,
    %swap3A_132 = vector.shape_cast %swap3A_131 : vector<1x16xf32> to vector<16xf32>
    %swap3A_133 = vector.shape_cast %get3A_127 : vector<16xf32> to vector<1x16xf32>
    tpu.vector_store %arg7[%swap3A_129, %swap3A_130], %swap3A_133 {strides = array<i32>} : memref<2x1024xf32, #tpu.memory_space<vmem>>, vector<1x16xf32>,
    %get3A_134 = arith.constant 2 : i32
    %get3A_135 = arith.index_cast %get3A_134 : i32 to index
    %get3A_136 = arith.constant 16 : index
    %get3A_137 = tpu.vector_load %arg6[%get3A_135, %get3A_136] {strides = array<i32>} : memref<32x128xf32, #tpu.memory_space<vmem>>, vector<1x16xf32>,
    %get3A_138 = vector.shape_cast %get3A_137 : vector<1x16xf32> to vector<16xf32>
    %swap3A_139 = arith.constant 0 : i32
    %swap3A_140 = arith.index_cast %swap3A_139 : i32 to index
    %swap3A_141 = arith.constant 144 : index
    %swap3A_142 = tpu.vector_load %arg7[%swap3A_140, %swap3A_141] {strides = array<i32>} : memref<2x1024xf32, #tpu.memory_space<vmem>>, vector<1x16xf32>,
    %swap3A_143 = vector.shape_cast %swap3A_142 : vector<1x16xf32> to vector<16xf32>
    %swap3A_144 = vector.shape_cast %get3A_138 : vector<16xf32> to vector<1x16xf32>
    tpu.vector_store %arg7[%swap3A_140, %swap3A_141], %swap3A_144 {strides = array<i32>} : memref<2x1024xf32, #tpu.memory_space<vmem>>, vector<1x16xf32>,
    %get3A_145 = arith.constant 2 : i32
    %get3A_146 = arith.index_cast %get3A_145 : i32 to index
    %get3A_147 = arith.constant 32 : index
    %get3A_148 = tpu.vector_load %arg6[%get3A_146, %get3A_147] {strides = array<i32>} : memref<32x128xf32, #tpu.memory_space<vmem>>, vector<1x16xf32>,
    %get3A_149 = vector.shape_cast %get3A_148 : vector<1x16xf32> to vector<16xf32>
    %swap3A_150 = arith.constant 0 : i32
    %swap3A_151 = arith.index_cast %swap3A_150 : i32 to index
    %swap3A_152 = arith.constant 160 : index
    %swap3A_153 = tpu.vector_load %arg7[%swap3A_151, %swap3A_152] {strides = array<i32>} : memref<2x1024xf32, #tpu.memory_space<vmem>>, vector<1x16xf32>,
    %swap3A_154 = vector.shape_cast %swap3A_153 : vector<1x16xf32> to vector<16xf32>
    %swap3A_155 = vector.shape_cast %get3A_149 : vector<16xf32> to vector<1x16xf32>
    tpu.vector_store %arg7[%swap3A_151, %swap3A_152], %swap3A_155 {strides = array<i32>} : memref<2x1024xf32, #tpu.memory_space<vmem>>, vector<1x16xf32>,
    %get3A_156 = arith.constant 2 : i32
    %get3A_157 = arith.index_cast %get3A_156 : i32 to index
    %get3A_158 = arith.constant 48 : index
    %get3A_159 = tpu.vector_load %arg6[%get3A_157, %get3A_158] {strides = array<i32>} : memref<32x128xf32, #tpu.memory_space<vmem>>, vector<1x16xf32>,
    %get3A_160 = vector.shape_cast %get3A_159 : vector<1x16xf32> to vector<16xf32>
    %swap3A_161 = arith.constant 0 : i32
    %swap3A_162 = arith.index_cast %swap3A_161 : i32 to index
    %swap3A_163 = arith.constant 176 : index
    %swap3A_164 = tpu.vector_load %arg7[%swap3A_162, %swap3A_163] {strides = array<i32>} : memref<2x1024xf32, #tpu.memory_space<vmem>>, vector<1x16xf32>,
    %swap3A_165 = vector.shape_cast %swap3A_164 : vector<1x16xf32> to vector<16xf32>
    %swap3A_166 = vector.shape_cast %get3A_160 : vector<16xf32> to vector<1x16xf32>
    tpu.vector_store %arg7[%swap3A_162, %swap3A_163], %swap3A_166 {strides = array<i32>} : memref<2x1024xf32, #tpu.memory_space<vmem>>, vector<1x16xf32>,
    %get3A_167 = arith.constant 3 : i32
    %get3A_168 = arith.index_cast %get3A_167 : i32 to index
    %get3A_169 = arith.constant 0 : index
    %get3A_170 = tpu.vector_load %arg6[%get3A_168, %get3A_169] {strides = array<i32>} : memref<32x128xf32, #tpu.memory_space<vmem>>, vector<1x16xf32>,
    %get3A_171 = vector.shape_cast %get3A_170 : vector<1x16xf32> to vector<16xf32>
    %swap3A_172 = arith.constant 0 : i32
    %swap3A_173 = arith.index_cast %swap3A_172 : i32 to index
    %swap3A_174 = arith.constant 192 : index
    %swap3A_175 = tpu.vector_load %arg7[%swap3A_173, %swap3A_174] {strides = array<i32>} : memref<2x1024xf32, #tpu.memory_space<vmem>>, vector<1x16xf32>,
    %swap3A_176 = vector.shape_cast %swap3A_175 : vector<1x16xf32> to vector<16xf32>
    %swap3A_177 = vector.shape_cast %get3A_171 : vector<16xf32> to vector<1x16xf32>
    tpu.vector_store %arg7[%swap3A_173, %swap3A_174], %swap3A_177 {strides = array<i32>} : memref<2x1024xf32, #tpu.memory_space<vmem>>, vector<1x16xf32>,
    %get3A_178 = arith.constant 3 : i32
    %get3A_179 = arith.index_cast %get3A_178 : i32 to index
    %get3A_180 = arith.constant 16 : index
    %get3A_181 = tpu.vector_load %arg6[%get3A_179, %get3A_180] {strides = array<i32>} : memref<32x128xf32, #tpu.memory_space<vmem>>, vector<1x16xf32>,
    %get3A_182 = vector.shape_cast %get3A_181 : vector<1x16xf32> to vector<16xf32>
    %swap3A_183 = arith.constant 0 : i32
    %swap3A_184 = arith.index_cast %swap3A_183 : i32 to index
    %swap3A_185 = arith.constant 208 : index
    %swap3A_186 = tpu.vector_load %arg7[%swap3A_184, %swap3A_185] {strides = array<i32>} : memref<2x1024xf32, #tpu.memory_space<vmem>>, vector<1x16xf32>,
    %swap3A_187 = vector.shape_cast %swap3A_186 : vector<1x16xf32> to vector<16xf32>
    %swap3A_188 = vector.shape_cast %get3A_182 : vector<16xf32> to vector<1x16xf32>
    tpu.vector_store %arg7[%swap3A_184, %swap3A_185], %swap3A_188 {strides = array<i32>} : memref<2x1024xf32, #tpu.memory_space<vmem>>, vector<1x16xf32>,
    %get3A_189 = arith.constant 3 : i32
    %get3A_190 = arith.index_cast %get3A_189 : i32 to index
    %get3A_191 = arith.constant 32 : index
    %get3A_192 = tpu.vector_load %arg6[%get3A_190, %get3A_191] {strides = array<i32>} : memref<32x128xf32, #tpu.memory_space<vmem>>, vector<1x16xf32>,
    %get3A_193 = vector.shape_cast %get3A_192 : vector<1x16xf32> to vector<16xf32>
    %swap3A_194 = arith.constant 0 : i32
    %swap3A_195 = arith.index_cast %swap3A_194 : i32 to index
    %swap3A_196 = arith.constant 224 : index
    %swap3A_197 = tpu.vector_load %arg7[%swap3A_195, %swap3A_196] {strides = array<i32>} : memref<2x1024xf32, #tpu.memory_space<vmem>>, vector<1x16xf32>,
    %swap3A_198 = vector.shape_cast %swap3A_197 : vector<1x16xf32> to vector<16xf32>
    %swap3A_199 = vector.shape_cast %get3A_193 : vector<16xf32> to vector<1x16xf32>
    tpu.vector_store %arg7[%swap3A_195, %swap3A_196], %swap3A_199 {strides = array<i32>} : memref<2x1024xf32, #tpu.memory_space<vmem>>, vector<1x16xf32>,
    %get3A_200 = arith.constant 3 : i32
    %get3A_201 = arith.index_cast %get3A_200 : i32 to index
    %get3A_202 = arith.constant 48 : index
    %get3A_203 = tpu.vector_load %arg6[%get3A_201, %get3A_202] {strides = array<i32>} : memref<32x128xf32, #tpu.memory_space<vmem>>, vector<1x16xf32>,
    %get3A_204 = vector.shape_cast %get3A_203 : vector<1x16xf32> to vector<16xf32>
    %swap3A_205 = arith.constant 0 : i32
    %swap3A_206 = arith.index_cast %swap3A_205 : i32 to index
    %swap3A_207 = arith.constant 240 : index
    %swap3A_208 = tpu.vector_load %arg7[%swap3A_206, %swap3A_207] {strides = array<i32>} : memref<2x1024xf32, #tpu.memory_space<vmem>>, vector<1x16xf32>,
    %swap3A_209 = vector.shape_cast %swap3A_208 : vector<1x16xf32> to vector<16xf32>
    %swap3A_210 = vector.shape_cast %get3A_204 : vector<16xf32> to vector<1x16xf32>
    tpu.vector_store %arg7[%swap3A_206, %swap3A_207], %swap3A_210 {strides = array<i32>} : memref<2x1024xf32, #tpu.memory_space<vmem>>, vector<1x16xf32>,
    %get3A_211 = arith.constant 4 : i32
    %get3A_212 = arith.index_cast %get3A_211 : i32 to index
    %get3A_213 = arith.constant 0 : index
    %get3A_214 = tpu.vector_load %arg6[%get3A_212, %get3A_213] {strides = array<i32>} : memref<32x128xf32, #tpu.memory_space<vmem>>, vector<1x16xf32>,
    %get3A_215 = vector.shape_cast %get3A_214 : vector<1x16xf32> to vector<16xf32>
    %swap3A_216 = arith.constant 0 : i32
    %swap3A_217 = arith.index_cast %swap3A_216 : i32 to index
    %swap3A_218 = arith.constant 256 : index
    %swap3A_219 = tpu.vector_load %arg7[%swap3A_217, %swap3A_218] {strides = array<i32>} : memref<2x1024xf32, #tpu.memory_space<vmem>>, vector<1x16xf32>,
    %swap3A_220 = vector.shape_cast %swap3A_219 : vector<1x16xf32> to vector<16xf32>
    %swap3A_221 = vector.shape_cast %get3A_215 : vector<16xf32> to vector<1x16xf32>
    tpu.vector_store %arg7[%swap3A_217, %swap3A_218], %swap3A_221 {strides = array<i32>} : memref<2x1024xf32, #tpu.memory_space<vmem>>, vector<1x16xf32>,
    %get3A_222 = arith.constant 4 : i32
    %get3A_223 = arith.index_cast %get3A_222 : i32 to index
    %get3A_224 = arith.constant 16 : index
    %get3A_225 = tpu.vector_load %arg6[%get3A_223, %get3A_224] {strides = array<i32>} : memref<32x128xf32, #tpu.memory_space<vmem>>, vector<1x16xf32>,
    %get3A_226 = vector.shape_cast %get3A_225 : vector<1x16xf32> to vector<16xf32>
    %swap3A_227 = arith.constant 0 : i32
    %swap3A_228 = arith.index_cast %swap3A_227 : i32 to index
    %swap3A_229 = arith.constant 272 : index
    %swap3A_230 = tpu.vector_load %arg7[%swap3A_228, %swap3A_229] {strides = array<i32>} : memref<2x1024xf32, #tpu.memory_space<vmem>>, vector<1x16xf32>,
    %swap3A_231 = vector.shape_cast %swap3A_230 : vector<1x16xf32> to vector<16xf32>
    %swap3A_232 = vector.shape_cast %get3A_226 : vector<16xf32> to vector<1x16xf32>
    tpu.vector_store %arg7[%swap3A_228, %swap3A_229], %swap3A_232 {strides = array<i32>} : memref<2x1024xf32, #tpu.memory_space<vmem>>, vector<1x16xf32>,
    %get3A_233 = arith.constant 4 : i32
    %get3A_234 = arith.index_cast %get3A_233 : i32 to index
    %get3A_235 = arith.constant 32 : index
    %get3A_236 = tpu.vector_load %arg6[%get3A_234, %get3A_235] {strides = array<i32>} : memref<32x128xf32, #tpu.memory_space<vmem>>, vector<1x16xf32>,
    %get3A_237 = vector.shape_cast %get3A_236 : vector<1x16xf32> to vector<16xf32>
    %swap3A_238 = arith.constant 0 : i32
    %swap3A_239 = arith.index_cast %swap3A_238 : i32 to index
    %swap3A_240 = arith.constant 288 : index
    %swap3A_241 = tpu.vector_load %arg7[%swap3A_239, %swap3A_240] {strides = array<i32>} : memref<2x1024xf32, #tpu.memory_space<vmem>>, vector<1x16xf32>,
    %swap3A_242 = vector.shape_cast %swap3A_241 : vector<1x16xf32> to vector<16xf32>
    %swap3A_243 = vector.shape_cast %get3A_237 : vector<16xf32> to vector<1x16xf32>
    tpu.vector_store %arg7[%swap3A_239, %swap3A_240], %swap3A_243 {strides = array<i32>} : memref<2x1024xf32, #tpu.memory_space<vmem>>, vector<1x16xf32>,
    %get3A_244 = arith.constant 4 : i32
    %get3A_245 = arith.index_cast %get3A_244 : i32 to index
    %get3A_246 = arith.constant 48 : index
    %get3A_247 = tpu.vector_load %arg6[%get3A_245, %get3A_246] {strides = array<i32>} : memref<32x128xf32, #tpu.memory_space<vmem>>, vector<1x16xf32>,
    %get3A_248 = vector.shape_cast %get3A_247 : vector<1x16xf32> to vector<16xf32>
    %swap3A_249 = arith.constant 0 : i32
    %swap3A_250 = arith.index_cast %swap3A_249 : i32 to index
    %swap3A_251 = arith.constant 304 : index
    %swap3A_252 = tpu.vector_load %arg7[%swap3A_250, %swap3A_251] {strides = array<i32>} : memref<2x1024xf32, #tpu.memory_space<vmem>>, vector<1x16xf32>,
    %swap3A_253 = vector.shape_cast %swap3A_252 : vector<1x16xf32> to vector<16xf32>
    %swap3A_254 = vector.shape_cast %get3A_248 : vector<16xf32> to vector<1x16xf32>
    tpu.vector_store %arg7[%swap3A_250, %swap3A_251], %swap3A_254 {strides = array<i32>} : memref<2x1024xf32, #tpu.memory_space<vmem>>, vector<1x16xf32>,
    %get3A_255 = arith.constant 5 : i32
    %get3A_256 = arith.index_cast %get3A_255 : i32 to index
    %get3A_257 = arith.constant 0 : index
    %get3A_258 = tpu.vector_load %arg6[%get3A_256, %get3A_257] {strides = array<i32>} : memref<32x128xf32, #tpu.memory_space<vmem>>, vector<1x16xf32>,
    %get3A_259 = vector.shape_cast %get3A_258 : vector<1x16xf32> to vector<16xf32>
    %swap3A_260 = arith.constant 0 : i32
    %swap3A_261 = arith.index_cast %swap3A_260 : i32 to index
    %swap3A_262 = arith.constant 320 : index
    %swap3A_263 = tpu.vector_load %arg7[%swap3A_261, %swap3A_262] {strides = array<i32>} : memref<2x1024xf32, #tpu.memory_space<vmem>>, vector<1x16xf32>,
    %swap3A_264 = vector.shape_cast %swap3A_263 : vector<1x16xf32> to vector<16xf32>
    %swap3A_265 = vector.shape_cast %get3A_259 : vector<16xf32> to vector<1x16xf32>
    tpu.vector_store %arg7[%swap3A_261, %swap3A_262], %swap3A_265 {strides = array<i32>} : memref<2x1024xf32, #tpu.memory_space<vmem>>, vector<1x16xf32>,
    %get3A_266 = arith.constant 5 : i32
    %get3A_267 = arith.index_cast %get3A_266 : i32 to index
    %get3A_268 = arith.constant 16 : index
    %get3A_269 = tpu.vector_load %arg6[%get3A_267, %get3A_268] {strides = array<i32>} : memref<32x128xf32, #tpu.memory_space<vmem>>, vector<1x16xf32>,
    %get3A_270 = vector.shape_cast %get3A_269 : vector<1x16xf32> to vector<16xf32>
    %swap3A_271 = arith.constant 0 : i32
    %swap3A_272 = arith.index_cast %swap3A_271 : i32 to index
    %swap3A_273 = arith.constant 336 : index
    %swap3A_274 = tpu.vector_load %arg7[%swap3A_272, %swap3A_273] {strides = array<i32>} : memref<2x1024xf32, #tpu.memory_space<vmem>>, vector<1x16xf32>,
    %swap3A_275 = vector.shape_cast %swap3A_274 : vector<1x16xf32> to vector<16xf32>
    %swap3A_276 = vector.shape_cast %get3A_270 : vector<16xf32> to vector<1x16xf32>
    tpu.vector_store %arg7[%swap3A_272, %swap3A_273], %swap3A_276 {strides = array<i32>} : memref<2x1024xf32, #tpu.memory_space<vmem>>, vector<1x16xf32>,
    %get3A_277 = arith.constant 5 : i32
    %get3A_278 = arith.index_cast %get3A_277 : i32 to index
    %get3A_279 = arith.constant 32 : index
    %get3A_280 = tpu.vector_load %arg6[%get3A_278, %get3A_279] {strides = array<i32>} : memref<32x128xf32, #tpu.memory_space<vmem>>, vector<1x16xf32>,
    %get3A_281 = vector.shape_cast %get3A_280 : vector<1x16xf32> to vector<16xf32>
    %swap3A_282 = arith.constant 0 : i32
    %swap3A_283 = arith.index_cast %swap3A_282 : i32 to index
    %swap3A_284 = arith.constant 352 : index
    %swap3A_285 = tpu.vector_load %arg7[%swap3A_283, %swap3A_284] {strides = array<i32>} : memref<2x1024xf32, #tpu.memory_space<vmem>>, vector<1x16xf32>,
    %swap3A_286 = vector.shape_cast %swap3A_285 : vector<1x16xf32> to vector<16xf32>
    %swap3A_287 = vector.shape_cast %get3A_281 : vector<16xf32> to vector<1x16xf32>
    tpu.vector_store %arg7[%swap3A_283, %swap3A_284], %swap3A_287 {strides = array<i32>} : memref<2x1024xf32, #tpu.memory_space<vmem>>, vector<1x16xf32>,
    %get3A_288 = arith.constant 5 : i32
    %get3A_289 = arith.index_cast %get3A_288 : i32 to index
    %get3A_290 = arith.constant 48 : index
    %get3A_291 = tpu.vector_load %arg6[%get3A_289, %get3A_290] {strides = array<i32>} : memref<32x128xf32, #tpu.memory_space<vmem>>, vector<1x16xf32>,
    %get3A_292 = vector.shape_cast %get3A_291 : vector<1x16xf32> to vector<16xf32>
    %swap3A_293 = arith.constant 0 : i32
    %swap3A_294 = arith.index_cast %swap3A_293 : i32 to index
    %swap3A_295 = arith.constant 368 : index
    %swap3A_296 = tpu.vector_load %arg7[%swap3A_294, %swap3A_295] {strides = array<i32>} : memref<2x1024xf32, #tpu.memory_space<vmem>>, vector<1x16xf32>,
    %swap3A_297 = vector.shape_cast %swap3A_296 : vector<1x16xf32> to vector<16xf32>
    %swap3A_298 = vector.shape_cast %get3A_292 : vector<16xf32> to vector<1x16xf32>
    tpu.vector_store %arg7[%swap3A_294, %swap3A_295], %swap3A_298 {strides = array<i32>} : memref<2x1024xf32, #tpu.memory_space<vmem>>, vector<1x16xf32>,
    %get3A_299 = arith.constant 6 : i32
    %get3A_300 = arith.index_cast %get3A_299 : i32 to index
    %get3A_301 = arith.constant 0 : index
    %get3A_302 = tpu.vector_load %arg6[%get3A_300, %get3A_301] {strides = array<i32>} : memref<32x128xf32, #tpu.memory_space<vmem>>, vector<1x16xf32>,
    %get3A_303 = vector.shape_cast %get3A_302 : vector<1x16xf32> to vector<16xf32>
    %swap3A_304 = arith.constant 0 : i32
    %swap3A_305 = arith.index_cast %swap3A_304 : i32 to index
    %swap3A_306 = arith.constant 384 : index
    %swap3A_307 = tpu.vector_load %arg7[%swap3A_305, %swap3A_306] {strides = array<i32>} : memref<2x1024xf32, #tpu.memory_space<vmem>>, vector<1x16xf32>,
    %swap3A_308 = vector.shape_cast %swap3A_307 : vector<1x16xf32> to vector<16xf32>
    %swap3A_309 = vector.shape_cast %get3A_303 : vector<16xf32> to vector<1x16xf32>
    tpu.vector_store %arg7[%swap3A_305, %swap3A_306], %swap3A_309 {strides = array<i32>} : memref<2x1024xf32, #tpu.memory_space<vmem>>, vector<1x16xf32>,
    %get3A_310 = arith.constant 6 : i32
    %get3A_311 = arith.index_cast %get3A_310 : i32 to index
    %get3A_312 = arith.constant 16 : index
    %get3A_313 = tpu.vector_load %arg6[%get3A_311, %get3A_312] {strides = array<i32>} : memref<32x128xf32, #tpu.memory_space<vmem>>, vector<1x16xf32>,
    %get3A_314 = vector.shape_cast %get3A_313 : vector<1x16xf32> to vector<16xf32>
    %swap3A_315 = arith.constant 0 : i32
    %swap3A_316 = arith.index_cast %swap3A_315 : i32 to index
    %swap3A_317 = arith.constant 400 : index
    %swap3A_318 = tpu.vector_load %arg7[%swap3A_316, %swap3A_317] {strides = array<i32>} : memref<2x1024xf32, #tpu.memory_space<vmem>>, vector<1x16xf32>,
    %swap3A_319 = vector.shape_cast %swap3A_318 : vector<1x16xf32> to vector<16xf32>
    %swap3A_320 = vector.shape_cast %get3A_314 : vector<16xf32> to vector<1x16xf32>
    tpu.vector_store %arg7[%swap3A_316, %swap3A_317], %swap3A_320 {strides = array<i32>} : memref<2x1024xf32, #tpu.memory_space<vmem>>, vector<1x16xf32>,
    %get3A_321 = arith.constant 6 : i32
    %get3A_322 = arith.index_cast %get3A_321 : i32 to index
    %get3A_323 = arith.constant 32 : index
    %get3A_324 = tpu.vector_load %arg6[%get3A_322, %get3A_323] {strides = array<i32>} : memref<32x128xf32, #tpu.memory_space<vmem>>, vector<1x16xf32>,
    %get3A_325 = vector.shape_cast %get3A_324 : vector<1x16xf32> to vector<16xf32>
    %swap3A_326 = arith.constant 0 : i32
    %swap3A_327 = arith.index_cast %swap3A_326 : i32 to index
    %swap3A_328 = arith.constant 416 : index
    %swap3A_329 = tpu.vector_load %arg7[%swap3A_327, %swap3A_328] {strides = array<i32>} : memref<2x1024xf32, #tpu.memory_space<vmem>>, vector<1x16xf32>,
    %swap3A_330 = vector.shape_cast %swap3A_329 : vector<1x16xf32> to vector<16xf32>
    %swap3A_331 = vector.shape_cast %get3A_325 : vector<16xf32> to vector<1x16xf32>
    tpu.vector_store %arg7[%swap3A_327, %swap3A_328], %swap3A_331 {strides = array<i32>} : memref<2x1024xf32, #tpu.memory_space<vmem>>, vector<1x16xf32>,
    %get3A_332 = arith.constant 6 : i32
    %get3A_333 = arith.index_cast %get3A_332 : i32 to index
    %get3A_334 = arith.constant 48 : index
    %get3A_335 = tpu.vector_load %arg6[%get3A_333, %get3A_334] {strides = array<i32>} : memref<32x128xf32, #tpu.memory_space<vmem>>, vector<1x16xf32>,
    %get3A_336 = vector.shape_cast %get3A_335 : vector<1x16xf32> to vector<16xf32>
    %swap3A_337 = arith.constant 0 : i32
    %swap3A_338 = arith.index_cast %swap3A_337 : i32 to index
    %swap3A_339 = arith.constant 432 : index
    %swap3A_340 = tpu.vector_load %arg7[%swap3A_338, %swap3A_339] {strides = array<i32>} : memref<2x1024xf32, #tpu.memory_space<vmem>>, vector<1x16xf32>,
    %swap3A_341 = vector.shape_cast %swap3A_340 : vector<1x16xf32> to vector<16xf32>
    %swap3A_342 = vector.shape_cast %get3A_336 : vector<16xf32> to vector<1x16xf32>
    tpu.vector_store %arg7[%swap3A_338, %swap3A_339], %swap3A_342 {strides = array<i32>} : memref<2x1024xf32, #tpu.memory_space<vmem>>, vector<1x16xf32>,
    %get3A_343 = arith.constant 7 : i32
    %get3A_344 = arith.index_cast %get3A_343 : i32 to index
    %get3A_345 = arith.constant 0 : index
    %get3A_346 = tpu.vector_load %arg6[%get3A_344, %get3A_345] {strides = array<i32>} : memref<32x128xf32, #tpu.memory_space<vmem>>, vector<1x16xf32>,
    %get3A_347 = vector.shape_cast %get3A_346 : vector<1x16xf32> to vector<16xf32>
    %swap3A_348 = arith.constant 0 : i32
    %swap3A_349 = arith.index_cast %swap3A_348 : i32 to index
    %swap3A_350 = arith.constant 448 : index
    %swap3A_351 = tpu.vector_load %arg7[%swap3A_349, %swap3A_350] {strides = array<i32>} : memref<2x1024xf32, #tpu.memory_space<vmem>>, vector<1x16xf32>,
    %swap3A_352 = vector.shape_cast %swap3A_351 : vector<1x16xf32> to vector<16xf32>
    %swap3A_353 = vector.shape_cast %get3A_347 : vector<16xf32> to vector<1x16xf32>
    tpu.vector_store %arg7[%swap3A_349, %swap3A_350], %swap3A_353 {strides = array<i32>} : memref<2x1024xf32, #tpu.memory_space<vmem>>, vector<1x16xf32>,
    %get3A_354 = arith.constant 7 : i32
    %get3A_355 = arith.index_cast %get3A_354 : i32 to index
    %get3A_356 = arith.constant 16 : index
    %get3A_357 = tpu.vector_load %arg6[%get3A_355, %get3A_356] {strides = array<i32>} : memref<32x128xf32, #tpu.memory_space<vmem>>, vector<1x16xf32>,
    %get3A_358 = vector.shape_cast %get3A_357 : vector<1x16xf32> to vector<16xf32>
    %swap3A_359 = arith.constant 0 : i32
    %swap3A_360 = arith.index_cast %swap3A_359 : i32 to index
    %swap3A_361 = arith.constant 464 : index
    %swap3A_362 = tpu.vector_load %arg7[%swap3A_360, %swap3A_361] {strides = array<i32>} : memref<2x1024xf32, #tpu.memory_space<vmem>>, vector<1x16xf32>,
    %swap3A_363 = vector.shape_cast %swap3A_362 : vector<1x16xf32> to vector<16xf32>
    %swap3A_364 = vector.shape_cast %get3A_358 : vector<16xf32> to vector<1x16xf32>
    tpu.vector_store %arg7[%swap3A_360, %swap3A_361], %swap3A_364 {strides = array<i32>} : memref<2x1024xf32, #tpu.memory_space<vmem>>, vector<1x16xf32>,
    %get3A_365 = arith.constant 7 : i32
    %get3A_366 = arith.index_cast %get3A_365 : i32 to index
    %get3A_367 = arith.constant 32 : index
    %get3A_368 = tpu.vector_load %arg6[%get3A_366, %get3A_367] {strides = array<i32>} : memref<32x128xf32, #tpu.memory_space<vmem>>, vector<1x16xf32>,
    %get3A_369 = vector.shape_cast %get3A_368 : vector<1x16xf32> to vector<16xf32>
    %swap3A_370 = arith.constant 0 : i32
    %swap3A_371 = arith.index_cast %swap3A_370 : i32 to index
    %swap3A_372 = arith.constant 480 : index
    %swap3A_373 = tpu.vector_load %arg7[%swap3A_371, %swap3A_372] {strides = array<i32>} : memref<2x1024xf32, #tpu.memory_space<vmem>>, vector<1x16xf32>,
    %swap3A_374 = vector.shape_cast %swap3A_373 : vector<1x16xf32> to vector<16xf32>
    %swap3A_375 = vector.shape_cast %get3A_369 : vector<16xf32> to vector<1x16xf32>
    tpu.vector_store %arg7[%swap3A_371, %swap3A_372], %swap3A_375 {strides = array<i32>} : memref<2x1024xf32, #tpu.memory_space<vmem>>, vector<1x16xf32>,
    %get3A_376 = arith.constant 7 : i32
    %get3A_377 = arith.index_cast %get3A_376 : i32 to index
    %get3A_378 = arith.constant 48 : index
    %get3A_379 = tpu.vector_load %arg6[%get3A_377, %get3A_378] {strides = array<i32>} : memref<32x128xf32, #tpu.memory_space<vmem>>, vector<1x16xf32>,
    %get3A_380 = vector.shape_cast %get3A_379 : vector<1x16xf32> to vector<16xf32>
    %swap3A_381 = arith.constant 0 : i32
    %swap3A_382 = arith.index_cast %swap3A_381 : i32 to index
    %swap3A_383 = arith.constant 496 : index
    %swap3A_384 = tpu.vector_load %arg7[%swap3A_382, %swap3A_383] {strides = array<i32>} : memref<2x1024xf32, #tpu.memory_space<vmem>>, vector<1x16xf32>,
    %swap3A_385 = vector.shape_cast %swap3A_384 : vector<1x16xf32> to vector<16xf32>
    %swap3A_386 = vector.shape_cast %get3A_380 : vector<16xf32> to vector<1x16xf32>
    tpu.vector_store %arg7[%swap3A_382, %swap3A_383], %swap3A_386 {strides = array<i32>} : memref<2x1024xf32, #tpu.memory_space<vmem>>, vector<1x16xf32>,
    %get3A_387 = arith.constant 8 : i32
    %get3A_388 = arith.index_cast %get3A_387 : i32 to index
    %get3A_389 = arith.constant 0 : index
    %get3A_390 = tpu.vector_load %arg6[%get3A_388, %get3A_389] {strides = array<i32>} : memref<32x128xf32, #tpu.memory_space<vmem>>, vector<1x16xf32>,
    %get3A_391 = vector.shape_cast %get3A_390 : vector<1x16xf32> to vector<16xf32>
    %swap3A_392 = arith.constant 0 : i32
    %swap3A_393 = arith.index_cast %swap3A_392 : i32 to index
    %swap3A_394 = arith.constant 512 : index
    %swap3A_395 = tpu.vector_load %arg7[%swap3A_393, %swap3A_394] {strides = array<i32>} : memref<2x1024xf32, #tpu.memory_space<vmem>>, vector<1x16xf32>,
    %swap3A_396 = vector.shape_cast %swap3A_395 : vector<1x16xf32> to vector<16xf32>
    %swap3A_397 = vector.shape_cast %get3A_391 : vector<16xf32> to vector<1x16xf32>
    tpu.vector_store %arg7[%swap3A_393, %swap3A_394], %swap3A_397 {strides = array<i32>} : memref<2x1024xf32, #tpu.memory_space<vmem>>, vector<1x16xf32>,
    %get3A_398 = arith.constant 8 : i32
    %get3A_399 = arith.index_cast %get3A_398 : i32 to index
    %get3A_400 = arith.constant 16 : index
    %get3A_401 = tpu.vector_load %arg6[%get3A_399, %get3A_400] {strides = array<i32>} : memref<32x128xf32, #tpu.memory_space<vmem>>, vector<1x16xf32>,
    %get3A_402 = vector.shape_cast %get3A_401 : vector<1x16xf32> to vector<16xf32>
    %swap3A_403 = arith.constant 0 : i32
    %swap3A_404 = arith.index_cast %swap3A_403 : i32 to index
    %swap3A_405 = arith.constant 528 : index
    %swap3A_406 = tpu.vector_load %arg7[%swap3A_404, %swap3A_405] {strides = array<i32>} : memref<2x1024xf32, #tpu.memory_space<vmem>>, vector<1x16xf32>,
    %swap3A_407 = vector.shape_cast %swap3A_406 : vector<1x16xf32> to vector<16xf32>
    %swap3A_408 = vector.shape_cast %get3A_402 : vector<16xf32> to vector<1x16xf32>
    tpu.vector_store %arg7[%swap3A_404, %swap3A_405], %swap3A_408 {strides = array<i32>} : memref<2x1024xf32, #tpu.memory_space<vmem>>, vector<1x16xf32>,
    %get3A_409 = arith.constant 8 : i32
    %get3A_410 = arith.index_cast %get3A_409 : i32 to index
    %get3A_411 = arith.constant 32 : index
    %get3A_412 = tpu.vector_load %arg6[%get3A_410, %get3A_411] {strides = array<i32>} : memref<32x128xf32, #tpu.memory_space<vmem>>, vector<1x16xf32>,
    %get3A_413 = vector.shape_cast %get3A_412 : vector<1x16xf32> to vector<16xf32>
    %swap3A_414 = arith.constant 0 : i32
    %swap3A_415 = arith.index_cast %swap3A_414 : i32 to index
    %swap3A_416 = arith.constant 544 : index
    %swap3A_417 = tpu.vector_load %arg7[%swap3A_415, %swap3A_416] {strides = array<i32>} : memref<2x1024xf32, #tpu.memory_space<vmem>>, vector<1x16xf32>,
    %swap3A_418 = vector.shape_cast %swap3A_417 : vector<1x16xf32> to vector<16xf32>
    %swap3A_419 = vector.shape_cast %get3A_413 : vector<16xf32> to vector<1x16xf32>
    tpu.vector_store %arg7[%swap3A_415, %swap3A_416], %swap3A_419 {strides = array<i32>} : memref<2x1024xf32, #tpu.memory_space<vmem>>, vector<1x16xf32>,
    %get3A_420 = arith.constant 8 : i32
    %get3A_421 = arith.index_cast %get3A_420 : i32 to index
    %get3A_422 = arith.constant 48 : index
    %get3A_423 = tpu.vector_load %arg6[%get3A_421, %get3A_422] {strides = array<i32>} : memref<32x128xf32, #tpu.memory_space<vmem>>, vector<1x16xf32>,
    %get3A_424 = vector.shape_cast %get3A_423 : vector<1x16xf32> to vector<16xf32>
    %swap3A_425 = arith.constant 0 : i32
    %swap3A_426 = arith.index_cast %swap3A_425 : i32 to index
    %swap3A_427 = arith.constant 560 : index
    %swap3A_428 = tpu.vector_load %arg7[%swap3A_426, %swap3A_427] {strides = array<i32>} : memref<2x1024xf32, #tpu.memory_space<vmem>>, vector<1x16xf32>,
    %swap3A_429 = vector.shape_cast %swap3A_428 : vector<1x16xf32> to vector<16xf32>
    %swap3A_430 = vector.shape_cast %get3A_424 : vector<16xf32> to vector<1x16xf32>
    tpu.vector_store %arg7[%swap3A_426, %swap3A_427], %swap3A_430 {strides = array<i32>} : memref<2x1024xf32, #tpu.memory_space<vmem>>, vector<1x16xf32>,
    %get3A_431 = arith.constant 9 : i32
    %get3A_432 = arith.index_cast %get3A_431 : i32 to index
    %get3A_433 = arith.constant 0 : index
    %get3A_434 = tpu.vector_load %arg6[%get3A_432, %get3A_433] {strides = array<i32>} : memref<32x128xf32, #tpu.memory_space<vmem>>, vector<1x16xf32>,
    %get3A_435 = vector.shape_cast %get3A_434 : vector<1x16xf32> to vector<16xf32>
    %swap3A_436 = arith.constant 0 : i32
    %swap3A_437 = arith.index_cast %swap3A_436 : i32 to index
    %swap3A_438 = arith.constant 576 : index
    %swap3A_439 = tpu.vector_load %arg7[%swap3A_437, %swap3A_438] {strides = array<i32>} : memref<2x1024xf32, #tpu.memory_space<vmem>>, vector<1x16xf32>,
    %swap3A_440 = vector.shape_cast %swap3A_439 : vector<1x16xf32> to vector<16xf32>
    %swap3A_441 = vector.shape_cast %get3A_435 : vector<16xf32> to vector<1x16xf32>
    tpu.vector_store %arg7[%swap3A_437, %swap3A_438], %swap3A_441 {strides = array<i32>} : memref<2x1024xf32, #tpu.memory_space<vmem>>, vector<1x16xf32>,
    %get3A_442 = arith.constant 9 : i32
    %get3A_443 = arith.index_cast %get3A_442 : i32 to index
    %get3A_444 = arith.constant 16 : index
    %get3A_445 = tpu.vector_load %arg6[%get3A_443, %get3A_444] {strides = array<i32>} : memref<32x128xf32, #tpu.memory_space<vmem>>, vector<1x16xf32>,
    %get3A_446 = vector.shape_cast %get3A_445 : vector<1x16xf32> to vector<16xf32>
    %swap3A_447 = arith.constant 0 : i32
    %swap3A_448 = arith.index_cast %swap3A_447 : i32 to index
    %swap3A_449 = arith.constant 592 : index
    %swap3A_450 = tpu.vector_load %arg7[%swap3A_448, %swap3A_449] {strides = array<i32>} : memref<2x1024xf32, #tpu.memory_space<vmem>>, vector<1x16xf32>,
    %swap3A_451 = vector.shape_cast %swap3A_450 : vector<1x16xf32> to vector<16xf32>
    %swap3A_452 = vector.shape_cast %get3A_446 : vector<16xf32> to vector<1x16xf32>
    tpu.vector_store %arg7[%swap3A_448, %swap3A_449], %swap3A_452 {strides = array<i32>} : memref<2x1024xf32, #tpu.memory_space<vmem>>, vector<1x16xf32>,
    %get3A_453 = arith.constant 9 : i32
    %get3A_454 = arith.index_cast %get3A_453 : i32 to index
    %get3A_455 = arith.constant 32 : index
    %get3A_456 = tpu.vector_load %arg6[%get3A_454, %get3A_455] {strides = array<i32>} : memref<32x128xf32, #tpu.memory_space<vmem>>, vector<1x16xf32>,
    %get3A_457 = vector.shape_cast %get3A_456 : vector<1x16xf32> to vector<16xf32>
    %swap3A_458 = arith.constant 0 : i32
    %swap3A_459 = arith.index_cast %swap3A_458 : i32 to index
    %swap3A_460 = arith.constant 608 : index
    %swap3A_461 = tpu.vector_load %arg7[%swap3A_459, %swap3A_460] {strides = array<i32>} : memref<2x1024xf32, #tpu.memory_space<vmem>>, vector<1x16xf32>,
    %swap3A_462 = vector.shape_cast %swap3A_461 : vector<1x16xf32> to vector<16xf32>
    %swap3A_463 = vector.shape_cast %get3A_457 : vector<16xf32> to vector<1x16xf32>
    tpu.vector_store %arg7[%swap3A_459, %swap3A_460], %swap3A_463 {strides = array<i32>} : memref<2x1024xf32, #tpu.memory_space<vmem>>, vector<1x16xf32>,
    %get3A_464 = arith.constant 9 : i32
    %get3A_465 = arith.index_cast %get3A_464 : i32 to index
    %get3A_466 = arith.constant 48 : index
    %get3A_467 = tpu.vector_load %arg6[%get3A_465, %get3A_466] {strides = array<i32>} : memref<32x128xf32, #tpu.memory_space<vmem>>, vector<1x16xf32>,
    %get3A_468 = vector.shape_cast %get3A_467 : vector<1x16xf32> to vector<16xf32>
    %swap3A_469 = arith.constant 0 : i32
    %swap3A_470 = arith.index_cast %swap3A_469 : i32 to index
    %swap3A_471 = arith.constant 624 : index
    %swap3A_472 = tpu.vector_load %arg7[%swap3A_470, %swap3A_471] {strides = array<i32>} : memref<2x1024xf32, #tpu.memory_space<vmem>>, vector<1x16xf32>,
    %swap3A_473 = vector.shape_cast %swap3A_472 : vector<1x16xf32> to vector<16xf32>
    %swap3A_474 = vector.shape_cast %get3A_468 : vector<16xf32> to vector<1x16xf32>
    tpu.vector_store %arg7[%swap3A_470, %swap3A_471], %swap3A_474 {strides = array<i32>} : memref<2x1024xf32, #tpu.memory_space<vmem>>, vector<1x16xf32>,
    %get3A_475 = arith.constant 10 : i32
    %get3A_476 = arith.index_cast %get3A_475 : i32 to index
    %get3A_477 = arith.constant 0 : index
    %get3A_478 = tpu.vector_load %arg6[%get3A_476, %get3A_477] {strides = array<i32>} : memref<32x128xf32, #tpu.memory_space<vmem>>, vector<1x16xf32>,
    %get3A_479 = vector.shape_cast %get3A_478 : vector<1x16xf32> to vector<16xf32>
    %swap3A_480 = arith.constant 0 : i32
    %swap3A_481 = arith.index_cast %swap3A_480 : i32 to index
    %swap3A_482 = arith.constant 640 : index
    %swap3A_483 = tpu.vector_load %arg7[%swap3A_481, %swap3A_482] {strides = array<i32>} : memref<2x1024xf32, #tpu.memory_space<vmem>>, vector<1x16xf32>,
    %swap3A_484 = vector.shape_cast %swap3A_483 : vector<1x16xf32> to vector<16xf32>
    %swap3A_485 = vector.shape_cast %get3A_479 : vector<16xf32> to vector<1x16xf32>
    tpu.vector_store %arg7[%swap3A_481, %swap3A_482], %swap3A_485 {strides = array<i32>} : memref<2x1024xf32, #tpu.memory_space<vmem>>, vector<1x16xf32>,
    %get3A_486 = arith.constant 10 : i32
    %get3A_487 = arith.index_cast %get3A_486 : i32 to index
    %get3A_488 = arith.constant 16 : index
    %get3A_489 = tpu.vector_load %arg6[%get3A_487, %get3A_488] {strides = array<i32>} : memref<32x128xf32, #tpu.memory_space<vmem>>, vector<1x16xf32>,
    %get3A_490 = vector.shape_cast %get3A_489 : vector<1x16xf32> to vector<16xf32>
    %swap3A_491 = arith.constant 0 : i32
    %swap3A_492 = arith.index_cast %swap3A_491 : i32 to index
    %swap3A_493 = arith.constant 656 : index
    %swap3A_494 = tpu.vector_load %arg7[%swap3A_492, %swap3A_493] {strides = array<i32>} : memref<2x1024xf32, #tpu.memory_space<vmem>>, vector<1x16xf32>,
    %swap3A_495 = vector.shape_cast %swap3A_494 : vector<1x16xf32> to vector<16xf32>
    %swap3A_496 = vector.shape_cast %get3A_490 : vector<16xf32> to vector<1x16xf32>
    tpu.vector_store %arg7[%swap3A_492, %swap3A_493], %swap3A_496 {strides = array<i32>} : memref<2x1024xf32, #tpu.memory_space<vmem>>, vector<1x16xf32>,
    %get3A_497 = arith.constant 10 : i32
    %get3A_498 = arith.index_cast %get3A_497 : i32 to index
    %get3A_499 = arith.constant 32 : index
    %get3A_500 = tpu.vector_load %arg6[%get3A_498, %get3A_499] {strides = array<i32>} : memref<32x128xf32, #tpu.memory_space<vmem>>, vector<1x16xf32>,
    %get3A_501 = vector.shape_cast %get3A_500 : vector<1x16xf32> to vector<16xf32>
    %swap3A_502 = arith.constant 0 : i32
    %swap3A_503 = arith.index_cast %swap3A_502 : i32 to index
    %swap3A_504 = arith.constant 672 : index
    %swap3A_505 = tpu.vector_load %arg7[%swap3A_503, %swap3A_504] {strides = array<i32>} : memref<2x1024xf32, #tpu.memory_space<vmem>>, vector<1x16xf32>,
    %swap3A_506 = vector.shape_cast %swap3A_505 : vector<1x16xf32> to vector<16xf32>
    %swap3A_507 = vector.shape_cast %get3A_501 : vector<16xf32> to vector<1x16xf32>
    tpu.vector_store %arg7[%swap3A_503, %swap3A_504], %swap3A_507 {strides = array<i32>} : memref<2x1024xf32, #tpu.memory_space<vmem>>, vector<1x16xf32>,
    %get3A_508 = arith.constant 10 : i32
    %get3A_509 = arith.index_cast %get3A_508 : i32 to index
    %get3A_510 = arith.constant 48 : index
    %get3A_511 = tpu.vector_load %arg6[%get3A_509, %get3A_510] {strides = array<i32>} : memref<32x128xf32, #tpu.memory_space<vmem>>, vector<1x16xf32>,
    %get3A_512 = vector.shape_cast %get3A_511 : vector<1x16xf32> to vector<16xf32>
    %swap3A_513 = arith.constant 0 : i32
    %swap3A_514 = arith.index_cast %swap3A_513 : i32 to index
    %swap3A_515 = arith.constant 688 : index
    %swap3A_516 = tpu.vector_load %arg7[%swap3A_514, %swap3A_515] {strides = array<i32>} : memref<2x1024xf32, #tpu.memory_space<vmem>>, vector<1x16xf32>,
    %swap3A_517 = vector.shape_cast %swap3A_516 : vector<1x16xf32> to vector<16xf32>
    %swap3A_518 = vector.shape_cast %get3A_512 : vector<16xf32> to vector<1x16xf32>
    tpu.vector_store %arg7[%swap3A_514, %swap3A_515], %swap3A_518 {strides = array<i32>} : memref<2x1024xf32, #tpu.memory_space<vmem>>, vector<1x16xf32>,
    %get3A_519 = arith.constant 11 : i32
    %get3A_520 = arith.index_cast %get3A_519 : i32 to index
    %get3A_521 = arith.constant 0 : index
    %get3A_522 = tpu.vector_load %arg6[%get3A_520, %get3A_521] {strides = array<i32>} : memref<32x128xf32, #tpu.memory_space<vmem>>, vector<1x16xf32>,
    %get3A_523 = vector.shape_cast %get3A_522 : vector<1x16xf32> to vector<16xf32>
    %swap3A_524 = arith.constant 0 : i32
    %swap3A_525 = arith.index_cast %swap3A_524 : i32 to index
    %swap3A_526 = arith.constant 704 : index
    %swap3A_527 = tpu.vector_load %arg7[%swap3A_525, %swap3A_526] {strides = array<i32>} : memref<2x1024xf32, #tpu.memory_space<vmem>>, vector<1x16xf32>,
    %swap3A_528 = vector.shape_cast %swap3A_527 : vector<1x16xf32> to vector<16xf32>
    %swap3A_529 = vector.shape_cast %get3A_523 : vector<16xf32> to vector<1x16xf32>
    tpu.vector_store %arg7[%swap3A_525, %swap3A_526], %swap3A_529 {strides = array<i32>} : memref<2x1024xf32, #tpu.memory_space<vmem>>, vector<1x16xf32>,
    %get3A_530 = arith.constant 11 : i32
    %get3A_531 = arith.index_cast %get3A_530 : i32 to index
    %get3A_532 = arith.constant 16 : index
    %get3A_533 = tpu.vector_load %arg6[%get3A_531, %get3A_532] {strides = array<i32>} : memref<32x128xf32, #tpu.memory_space<vmem>>, vector<1x16xf32>,
    %get3A_534 = vector.shape_cast %get3A_533 : vector<1x16xf32> to vector<16xf32>
    %swap3A_535 = arith.constant 0 : i32
    %swap3A_536 = arith.index_cast %swap3A_535 : i32 to index
    %swap3A_537 = arith.constant 720 : index
    %swap3A_538 = tpu.vector_load %arg7[%swap3A_536, %swap3A_537] {strides = array<i32>} : memref<2x1024xf32, #tpu.memory_space<vmem>>, vector<1x16xf32>,
    %swap3A_539 = vector.shape_cast %swap3A_538 : vector<1x16xf32> to vector<16xf32>
    %swap3A_540 = vector.shape_cast %get3A_534 : vector<16xf32> to vector<1x16xf32>
    tpu.vector_store %arg7[%swap3A_536, %swap3A_537], %swap3A_540 {strides = array<i32>} : memref<2x1024xf32, #tpu.memory_space<vmem>>, vector<1x16xf32>,
    %get3A_541 = arith.constant 11 : i32
    %get3A_542 = arith.index_cast %get3A_541 : i32 to index
    %get3A_543 = arith.constant 32 : index
    %get3A_544 = tpu.vector_load %arg6[%get3A_542, %get3A_543] {strides = array<i32>} : memref<32x128xf32, #tpu.memory_space<vmem>>, vector<1x16xf32>,
    %get3A_545 = vector.shape_cast %get3A_544 : vector<1x16xf32> to vector<16xf32>
    %swap3A_546 = arith.constant 0 : i32
    %swap3A_547 = arith.index_cast %swap3A_546 : i32 to index
    %swap3A_548 = arith.constant 736 : index
    %swap3A_549 = tpu.vector_load %arg7[%swap3A_547, %swap3A_548] {strides = array<i32>} : memref<2x1024xf32, #tpu.memory_space<vmem>>, vector<1x16xf32>,
    %swap3A_550 = vector.shape_cast %swap3A_549 : vector<1x16xf32> to vector<16xf32>
    %swap3A_551 = vector.shape_cast %get3A_545 : vector<16xf32> to vector<1x16xf32>
    tpu.vector_store %arg7[%swap3A_547, %swap3A_548], %swap3A_551 {strides = array<i32>} : memref<2x1024xf32, #tpu.memory_space<vmem>>, vector<1x16xf32>,
    %get3A_552 = arith.constant 11 : i32
    %get3A_553 = arith.index_cast %get3A_552 : i32 to index
    %get3A_554 = arith.constant 48 : index
    %get3A_555 = tpu.vector_load %arg6[%get3A_553, %get3A_554] {strides = array<i32>} : memref<32x128xf32, #tpu.memory_space<vmem>>, vector<1x16xf32>,
    %get3A_556 = vector.shape_cast %get3A_555 : vector<1x16xf32> to vector<16xf32>
    %swap3A_557 = arith.constant 0 : i32
    %swap3A_558 = arith.index_cast %swap3A_557 : i32 to index
    %swap3A_559 = arith.constant 752 : index
    %swap3A_560 = tpu.vector_load %arg7[%swap3A_558, %swap3A_559] {strides = array<i32>} : memref<2x1024xf32, #tpu.memory_space<vmem>>, vector<1x16xf32>,
    %swap3A_561 = vector.shape_cast %swap3A_560 : vector<1x16xf32> to vector<16xf32>
    %swap3A_562 = vector.shape_cast %get3A_556 : vector<16xf32> to vector<1x16xf32>
    tpu.vector_store %arg7[%swap3A_558, %swap3A_559], %swap3A_562 {strides = array<i32>} : memref<2x1024xf32, #tpu.memory_space<vmem>>, vector<1x16xf32>,
    %get3A_563 = arith.constant 12 : i32
    %get3A_564 = arith.index_cast %get3A_563 : i32 to index
    %get3A_565 = arith.constant 0 : index
    %get3A_566 = tpu.vector_load %arg6[%get3A_564, %get3A_565] {strides = array<i32>} : memref<32x128xf32, #tpu.memory_space<vmem>>, vector<1x16xf32>,
    %get3A_567 = vector.shape_cast %get3A_566 : vector<1x16xf32> to vector<16xf32>
    %swap3A_568 = arith.constant 0 : i32
    %swap3A_569 = arith.index_cast %swap3A_568 : i32 to index
    %swap3A_570 = arith.constant 768 : index
    %swap3A_571 = tpu.vector_load %arg7[%swap3A_569, %swap3A_570] {strides = array<i32>} : memref<2x1024xf32, #tpu.memory_space<vmem>>, vector<1x16xf32>,
    %swap3A_572 = vector.shape_cast %swap3A_571 : vector<1x16xf32> to vector<16xf32>
    %swap3A_573 = vector.shape_cast %get3A_567 : vector<16xf32> to vector<1x16xf32>
    tpu.vector_store %arg7[%swap3A_569, %swap3A_570], %swap3A_573 {strides = array<i32>} : memref<2x1024xf32, #tpu.memory_space<vmem>>, vector<1x16xf32>,
    %get3A_574 = arith.constant 12 : i32
    %get3A_575 = arith.index_cast %get3A_574 : i32 to index
    %get3A_576 = arith.constant 16 : index
    %get3A_577 = tpu.vector_load %arg6[%get3A_575, %get3A_576] {strides = array<i32>} : memref<32x128xf32, #tpu.memory_space<vmem>>, vector<1x16xf32>,
    %get3A_578 = vector.shape_cast %get3A_577 : vector<1x16xf32> to vector<16xf32>
    %swap3A_579 = arith.constant 0 : i32
    %swap3A_580 = arith.index_cast %swap3A_579 : i32 to index
    %swap3A_581 = arith.constant 784 : index
    %swap3A_582 = tpu.vector_load %arg7[%swap3A_580, %swap3A_581] {strides = array<i32>} : memref<2x1024xf32, #tpu.memory_space<vmem>>, vector<1x16xf32>,
    %swap3A_583 = vector.shape_cast %swap3A_582 : vector<1x16xf32> to vector<16xf32>
    %swap3A_584 = vector.shape_cast %get3A_578 : vector<16xf32> to vector<1x16xf32>
    tpu.vector_store %arg7[%swap3A_580, %swap3A_581], %swap3A_584 {strides = array<i32>} : memref<2x1024xf32, #tpu.memory_space<vmem>>, vector<1x16xf32>,
    %get3A_585 = arith.constant 12 : i32
    %get3A_586 = arith.index_cast %get3A_585 : i32 to index
    %get3A_587 = arith.constant 32 : index
    %get3A_588 = tpu.vector_load %arg6[%get3A_586, %get3A_587] {strides = array<i32>} : memref<32x128xf32, #tpu.memory_space<vmem>>, vector<1x16xf32>,
    %get3A_589 = vector.shape_cast %get3A_588 : vector<1x16xf32> to vector<16xf32>
    %swap3A_590 = arith.constant 0 : i32
    %swap3A_591 = arith.index_cast %swap3A_590 : i32 to index
    %swap3A_592 = arith.constant 800 : index
    %swap3A_593 = tpu.vector_load %arg7[%swap3A_591, %swap3A_592] {strides = array<i32>} : memref<2x1024xf32, #tpu.memory_space<vmem>>, vector<1x16xf32>,
    %swap3A_594 = vector.shape_cast %swap3A_593 : vector<1x16xf32> to vector<16xf32>
    %swap3A_595 = vector.shape_cast %get3A_589 : vector<16xf32> to vector<1x16xf32>
    tpu.vector_store %arg7[%swap3A_591, %swap3A_592], %swap3A_595 {strides = array<i32>} : memref<2x1024xf32, #tpu.memory_space<vmem>>, vector<1x16xf32>,
    %get3A_596 = arith.constant 12 : i32
    %get3A_597 = arith.index_cast %get3A_596 : i32 to index
    %get3A_598 = arith.constant 48 : index
    %get3A_599 = tpu.vector_load %arg6[%get3A_597, %get3A_598] {strides = array<i32>} : memref<32x128xf32, #tpu.memory_space<vmem>>, vector<1x16xf32>,
    %get3A_600 = vector.shape_cast %get3A_599 : vector<1x16xf32> to vector<16xf32>
    %swap3A_601 = arith.constant 0 : i32
    %swap3A_602 = arith.index_cast %swap3A_601 : i32 to index
    %swap3A_603 = arith.constant 816 : index
    %swap3A_604 = tpu.vector_load %arg7[%swap3A_602, %swap3A_603] {strides = array<i32>} : memref<2x1024xf32, #tpu.memory_space<vmem>>, vector<1x16xf32>,
    %swap3A_605 = vector.shape_cast %swap3A_604 : vector<1x16xf32> to vector<16xf32>
    %swap3A_606 = vector.shape_cast %get3A_600 : vector<16xf32> to vector<1x16xf32>
    tpu.vector_store %arg7[%swap3A_602, %swap3A_603], %swap3A_606 {strides = array<i32>} : memref<2x1024xf32, #tpu.memory_space<vmem>>, vector<1x16xf32>,
    %get3A_607 = arith.constant 13 : i32
    %get3A_608 = arith.index_cast %get3A_607 : i32 to index
    %get3A_609 = arith.constant 0 : index
    %get3A_610 = tpu.vector_load %arg6[%get3A_608, %get3A_609] {strides = array<i32>} : memref<32x128xf32, #tpu.memory_space<vmem>>, vector<1x16xf32>,
    %get3A_611 = vector.shape_cast %get3A_610 : vector<1x16xf32> to vector<16xf32>
    %swap3A_612 = arith.constant 0 : i32
    %swap3A_613 = arith.index_cast %swap3A_612 : i32 to index
    %swap3A_614 = arith.constant 832 : index
    %swap3A_615 = tpu.vector_load %arg7[%swap3A_613, %swap3A_614] {strides = array<i32>} : memref<2x1024xf32, #tpu.memory_space<vmem>>, vector<1x16xf32>,
    %swap3A_616 = vector.shape_cast %swap3A_615 : vector<1x16xf32> to vector<16xf32>
    %swap3A_617 = vector.shape_cast %get3A_611 : vector<16xf32> to vector<1x16xf32>
    tpu.vector_store %arg7[%swap3A_613, %swap3A_614], %swap3A_617 {strides = array<i32>} : memref<2x1024xf32, #tpu.memory_space<vmem>>, vector<1x16xf32>,
    %get3A_618 = arith.constant 13 : i32
    %get3A_619 = arith.index_cast %get3A_618 : i32 to index
    %get3A_620 = arith.constant 16 : index
    %get3A_621 = tpu.vector_load %arg6[%get3A_619, %get3A_620] {strides = array<i32>} : memref<32x128xf32, #tpu.memory_space<vmem>>, vector<1x16xf32>,
    %get3A_622 = vector.shape_cast %get3A_621 : vector<1x16xf32> to vector<16xf32>
    %swap3A_623 = arith.constant 0 : i32
    %swap3A_624 = arith.index_cast %swap3A_623 : i32 to index
    %swap3A_625 = arith.constant 848 : index
    %swap3A_626 = tpu.vector_load %arg7[%swap3A_624, %swap3A_625] {strides = array<i32>} : memref<2x1024xf32, #tpu.memory_space<vmem>>, vector<1x16xf32>,
    %swap3A_627 = vector.shape_cast %swap3A_626 : vector<1x16xf32> to vector<16xf32>
    %swap3A_628 = vector.shape_cast %get3A_622 : vector<16xf32> to vector<1x16xf32>
    tpu.vector_store %arg7[%swap3A_624, %swap3A_625], %swap3A_628 {strides = array<i32>} : memref<2x1024xf32, #tpu.memory_space<vmem>>, vector<1x16xf32>,
    %get3A_629 = arith.constant 13 : i32
    %get3A_630 = arith.index_cast %get3A_629 : i32 to index
    %get3A_631 = arith.constant 32 : index
    %get3A_632 = tpu.vector_load %arg6[%get3A_630, %get3A_631] {strides = array<i32>} : memref<32x128xf32, #tpu.memory_space<vmem>>, vector<1x16xf32>,
    %get3A_633 = vector.shape_cast %get3A_632 : vector<1x16xf32> to vector<16xf32>
    %swap3A_634 = arith.constant 0 : i32
    %swap3A_635 = arith.index_cast %swap3A_634 : i32 to index
    %swap3A_636 = arith.constant 864 : index
    %swap3A_637 = tpu.vector_load %arg7[%swap3A_635, %swap3A_636] {strides = array<i32>} : memref<2x1024xf32, #tpu.memory_space<vmem>>, vector<1x16xf32>,
    %swap3A_638 = vector.shape_cast %swap3A_637 : vector<1x16xf32> to vector<16xf32>
    %swap3A_639 = vector.shape_cast %get3A_633 : vector<16xf32> to vector<1x16xf32>
    tpu.vector_store %arg7[%swap3A_635, %swap3A_636], %swap3A_639 {strides = array<i32>} : memref<2x1024xf32, #tpu.memory_space<vmem>>, vector<1x16xf32>,
    %get3A_640 = arith.constant 13 : i32
    %get3A_641 = arith.index_cast %get3A_640 : i32 to index
    %get3A_642 = arith.constant 48 : index
    %get3A_643 = tpu.vector_load %arg6[%get3A_641, %get3A_642] {strides = array<i32>} : memref<32x128xf32, #tpu.memory_space<vmem>>, vector<1x16xf32>,
    %get3A_644 = vector.shape_cast %get3A_643 : vector<1x16xf32> to vector<16xf32>
    %swap3A_645 = arith.constant 0 : i32
    %swap3A_646 = arith.index_cast %swap3A_645 : i32 to index
    %swap3A_647 = arith.constant 880 : index
    %swap3A_648 = tpu.vector_load %arg7[%swap3A_646, %swap3A_647] {strides = array<i32>} : memref<2x1024xf32, #tpu.memory_space<vmem>>, vector<1x16xf32>,
    %swap3A_649 = vector.shape_cast %swap3A_648 : vector<1x16xf32> to vector<16xf32>
    %swap3A_650 = vector.shape_cast %get3A_644 : vector<16xf32> to vector<1x16xf32>
    tpu.vector_store %arg7[%swap3A_646, %swap3A_647], %swap3A_650 {strides = array<i32>} : memref<2x1024xf32, #tpu.memory_space<vmem>>, vector<1x16xf32>,
    %get3A_651 = arith.constant 14 : i32
    %get3A_652 = arith.index_cast %get3A_651 : i32 to index
    %get3A_653 = arith.constant 0 : index
    %get3A_654 = tpu.vector_load %arg6[%get3A_652, %get3A_653] {strides = array<i32>} : memref<32x128xf32, #tpu.memory_space<vmem>>, vector<1x16xf32>,
    %get3A_655 = vector.shape_cast %get3A_654 : vector<1x16xf32> to vector<16xf32>
    %swap3A_656 = arith.constant 0 : i32
    %swap3A_657 = arith.index_cast %swap3A_656 : i32 to index
    %swap3A_658 = arith.constant 896 : index
    %swap3A_659 = tpu.vector_load %arg7[%swap3A_657, %swap3A_658] {strides = array<i32>} : memref<2x1024xf32, #tpu.memory_space<vmem>>, vector<1x16xf32>,
    %swap3A_660 = vector.shape_cast %swap3A_659 : vector<1x16xf32> to vector<16xf32>
    %swap3A_661 = vector.shape_cast %get3A_655 : vector<16xf32> to vector<1x16xf32>
    tpu.vector_store %arg7[%swap3A_657, %swap3A_658], %swap3A_661 {strides = array<i32>} : memref<2x1024xf32, #tpu.memory_space<vmem>>, vector<1x16xf32>,
    %get3A_662 = arith.constant 14 : i32
    %get3A_663 = arith.index_cast %get3A_662 : i32 to index
    %get3A_664 = arith.constant 16 : index
    %get3A_665 = tpu.vector_load %arg6[%get3A_663, %get3A_664] {strides = array<i32>} : memref<32x128xf32, #tpu.memory_space<vmem>>, vector<1x16xf32>,
    %get3A_666 = vector.shape_cast %get3A_665 : vector<1x16xf32> to vector<16xf32>
    %swap3A_667 = arith.constant 0 : i32
    %swap3A_668 = arith.index_cast %swap3A_667 : i32 to index
    %swap3A_669 = arith.constant 912 : index
    %swap3A_670 = tpu.vector_load %arg7[%swap3A_668, %swap3A_669] {strides = array<i32>} : memref<2x1024xf32, #tpu.memory_space<vmem>>, vector<1x16xf32>,
    %swap3A_671 = vector.shape_cast %swap3A_670 : vector<1x16xf32> to vector<16xf32>
    %swap3A_672 = vector.shape_cast %get3A_666 : vector<16xf32> to vector<1x16xf32>
    tpu.vector_store %arg7[%swap3A_668, %swap3A_669], %swap3A_672 {strides = array<i32>} : memref<2x1024xf32, #tpu.memory_space<vmem>>, vector<1x16xf32>,
    %get3A_673 = arith.constant 14 : i32
    %get3A_674 = arith.index_cast %get3A_673 : i32 to index
    %get3A_675 = arith.constant 32 : index
    %get3A_676 = tpu.vector_load %arg6[%get3A_674, %get3A_675] {strides = array<i32>} : memref<32x128xf32, #tpu.memory_space<vmem>>, vector<1x16xf32>,
    %get3A_677 = vector.shape_cast %get3A_676 : vector<1x16xf32> to vector<16xf32>
    %swap3A_678 = arith.constant 0 : i32
    %swap3A_679 = arith.index_cast %swap3A_678 : i32 to index
    %swap3A_680 = arith.constant 928 : index
    %swap3A_681 = tpu.vector_load %arg7[%swap3A_679, %swap3A_680] {strides = array<i32>} : memref<2x1024xf32, #tpu.memory_space<vmem>>, vector<1x16xf32>,
    %swap3A_682 = vector.shape_cast %swap3A_681 : vector<1x16xf32> to vector<16xf32>
    %swap3A_683 = vector.shape_cast %get3A_677 : vector<16xf32> to vector<1x16xf32>
    tpu.vector_store %arg7[%swap3A_679, %swap3A_680], %swap3A_683 {strides = array<i32>} : memref<2x1024xf32, #tpu.memory_space<vmem>>, vector<1x16xf32>,
    %get3A_684 = arith.constant 14 : i32
    %get3A_685 = arith.index_cast %get3A_684 : i32 to index
    %get3A_686 = arith.constant 48 : index
    %get3A_687 = tpu.vector_load %arg6[%get3A_685, %get3A_686] {strides = array<i32>} : memref<32x128xf32, #tpu.memory_space<vmem>>, vector<1x16xf32>,
    %get3A_688 = vector.shape_cast %get3A_687 : vector<1x16xf32> to vector<16xf32>
    %swap3A_689 = arith.constant 0 : i32
    %swap3A_690 = arith.index_cast %swap3A_689 : i32 to index
    %swap3A_691 = arith.constant 944 : index
    %swap3A_692 = tpu.vector_load %arg7[%swap3A_690, %swap3A_691] {strides = array<i32>} : memref<2x1024xf32, #tpu.memory_space<vmem>>, vector<1x16xf32>,
    %swap3A_693 = vector.shape_cast %swap3A_692 : vector<1x16xf32> to vector<16xf32>
    %swap3A_694 = vector.shape_cast %get3A_688 : vector<16xf32> to vector<1x16xf32>
    tpu.vector_store %arg7[%swap3A_690, %swap3A_691], %swap3A_694 {strides = array<i32>} : memref<2x1024xf32, #tpu.memory_space<vmem>>, vector<1x16xf32>,
    %get3A_695 = arith.constant 15 : i32
    %get3A_696 = arith.index_cast %get3A_695 : i32 to index
    %get3A_697 = arith.constant 0 : index
    %get3A_698 = tpu.vector_load %arg6[%get3A_696, %get3A_697] {strides = array<i32>} : memref<32x128xf32, #tpu.memory_space<vmem>>, vector<1x16xf32>,
    %get3A_699 = vector.shape_cast %get3A_698 : vector<1x16xf32> to vector<16xf32>
    %swap3A_700 = arith.constant 0 : i32
    %swap3A_701 = arith.index_cast %swap3A_700 : i32 to index
    %swap3A_702 = arith.constant 960 : index
    %swap3A_703 = tpu.vector_load %arg7[%swap3A_701, %swap3A_702] {strides = array<i32>} : memref<2x1024xf32, #tpu.memory_space<vmem>>, vector<1x16xf32>,
    %swap3A_704 = vector.shape_cast %swap3A_703 : vector<1x16xf32> to vector<16xf32>
    %swap3A_705 = vector.shape_cast %get3A_699 : vector<16xf32> to vector<1x16xf32>
    tpu.vector_store %arg7[%swap3A_701, %swap3A_702], %swap3A_705 {strides = array<i32>} : memref<2x1024xf32, #tpu.memory_space<vmem>>, vector<1x16xf32>,
    %get3A_706 = arith.constant 15 : i32
    %get3A_707 = arith.index_cast %get3A_706 : i32 to index
    %get3A_708 = arith.constant 16 : index
    %get3A_709 = tpu.vector_load %arg6[%get3A_707, %get3A_708] {strides = array<i32>} : memref<32x128xf32, #tpu.memory_space<vmem>>, vector<1x16xf32>,
    %get3A_710 = vector.shape_cast %get3A_709 : vector<1x16xf32> to vector<16xf32>
    %swap3A_711 = arith.constant 0 : i32
    %swap3A_712 = arith.index_cast %swap3A_711 : i32 to index
    %swap3A_713 = arith.constant 976 : index
    %swap3A_714 = tpu.vector_load %arg7[%swap3A_712, %swap3A_713] {strides = array<i32>} : memref<2x1024xf32, #tpu.memory_space<vmem>>, vector<1x16xf32>,
    %swap3A_715 = vector.shape_cast %swap3A_714 : vector<1x16xf32> to vector<16xf32>
    %swap3A_716 = vector.shape_cast %get3A_710 : vector<16xf32> to vector<1x16xf32>
    tpu.vector_store %arg7[%swap3A_712, %swap3A_713], %swap3A_716 {strides = array<i32>} : memref<2x1024xf32, #tpu.memory_space<vmem>>, vector<1x16xf32>,
    %get3A_717 = arith.constant 15 : i32
    %get3A_718 = arith.index_cast %get3A_717 : i32 to index
    %get3A_719 = arith.constant 32 : index
    %get3A_720 = tpu.vector_load %arg6[%get3A_718, %get3A_719] {strides = array<i32>} : memref<32x128xf32, #tpu.memory_space<vmem>>, vector<1x16xf32>,
    %get3A_721 = vector.shape_cast %get3A_720 : vector<1x16xf32> to vector<16xf32>
    %swap3A_722 = arith.constant 0 : i32
    %swap3A_723 = arith.index_cast %swap3A_722 : i32 to index
    %swap3A_724 = arith.constant 992 : index
    %swap3A_725 = tpu.vector_load %arg7[%swap3A_723, %swap3A_724] {strides = array<i32>} : memref<2x1024xf32, #tpu.memory_space<vmem>>, vector<1x16xf32>,
    %swap3A_726 = vector.shape_cast %swap3A_725 : vector<1x16xf32> to vector<16xf32>
    %swap3A_727 = vector.shape_cast %get3A_721 : vector<16xf32> to vector<1x16xf32>
    tpu.vector_store %arg7[%swap3A_723, %swap3A_724], %swap3A_727 {strides = array<i32>} : memref<2x1024xf32, #tpu.memory_space<vmem>>, vector<1x16xf32>,
    %get3A_728 = arith.constant 15 : i32
    %get3A_729 = arith.index_cast %get3A_728 : i32 to index
    %get3A_730 = arith.constant 48 : index
    %get3A_731 = tpu.vector_load %arg6[%get3A_729, %get3A_730] {strides = array<i32>} : memref<32x128xf32, #tpu.memory_space<vmem>>, vector<1x16xf32>,
    %get3A_732 = vector.shape_cast %get3A_731 : vector<1x16xf32> to vector<16xf32>
    %swap3A_733 = arith.constant 0 : i32
    %swap3A_734 = arith.index_cast %swap3A_733 : i32 to index
    %swap3A_735 = arith.constant 1008 : index
    %swap3A_736 = tpu.vector_load %arg7[%swap3A_734, %swap3A_735] {strides = array<i32>} : memref<2x1024xf32, #tpu.memory_space<vmem>>, vector<1x16xf32>,
    %swap3A_737 = vector.shape_cast %swap3A_736 : vector<1x16xf32> to vector<16xf32>
    %swap3A_738 = vector.shape_cast %get3A_732 : vector<16xf32> to vector<1x16xf32>
    tpu.vector_store %arg7[%swap3A_734, %swap3A_735], %swap3A_738 {strides = array<i32>} : memref<2x1024xf32, #tpu.memory_space<vmem>>, vector<1x16xf32>,
    %get3A_739 = arith.constant 16 : i32
    %get3A_740 = arith.index_cast %get3A_739 : i32 to index
    %get3A_741 = arith.constant 0 : index
    %get3A_742 = tpu.vector_load %arg6[%get3A_740, %get3A_741] {strides = array<i32>} : memref<32x128xf32, #tpu.memory_space<vmem>>, vector<1x16xf32>,
    %get3A_743 = vector.shape_cast %get3A_742 : vector<1x16xf32> to vector<16xf32>
    %swap3A_744 = arith.constant 1 : i32
    %swap3A_745 = arith.index_cast %swap3A_744 : i32 to index
    %swap3A_746 = arith.constant 0 : index
    %swap3A_747 = tpu.vector_load %arg7[%swap3A_745, %swap3A_746] {strides = array<i32>} : memref<2x1024xf32, #tpu.memory_space<vmem>>, vector<1x16xf32>,
    %swap3A_748 = vector.shape_cast %swap3A_747 : vector<1x16xf32> to vector<16xf32>
    %swap3A_749 = vector.shape_cast %get3A_743 : vector<16xf32> to vector<1x16xf32>
    tpu.vector_store %arg7[%swap3A_745, %swap3A_746], %swap3A_749 {strides = array<i32>} : memref<2x1024xf32, #tpu.memory_space<vmem>>, vector<1x16xf32>,
    %get3A_750 = arith.constant 16 : i32
    %get3A_751 = arith.index_cast %get3A_750 : i32 to index
    %get3A_752 = arith.constant 16 : index
    %get3A_753 = tpu.vector_load %arg6[%get3A_751, %get3A_752] {strides = array<i32>} : memref<32x128xf32, #tpu.memory_space<vmem>>, vector<1x16xf32>,
    %get3A_754 = vector.shape_cast %get3A_753 : vector<1x16xf32> to vector<16xf32>
    %swap3A_755 = arith.constant 1 : i32
    %swap3A_756 = arith.index_cast %swap3A_755 : i32 to index
    %swap3A_757 = arith.constant 16 : index
    %swap3A_758 = tpu.vector_load %arg7[%swap3A_756, %swap3A_757] {strides = array<i32>} : memref<2x1024xf32, #tpu.memory_space<vmem>>, vector<1x16xf32>,
    %swap3A_759 = vector.shape_cast %swap3A_758 : vector<1x16xf32> to vector<16xf32>
    %swap3A_760 = vector.shape_cast %get3A_754 : vector<16xf32> to vector<1x16xf32>
    tpu.vector_store %arg7[%swap3A_756, %swap3A_757], %swap3A_760 {strides = array<i32>} : memref<2x1024xf32, #tpu.memory_space<vmem>>, vector<1x16xf32>,
    %get3A_761 = arith.constant 16 : i32
    %get3A_762 = arith.index_cast %get3A_761 : i32 to index
    %get3A_763 = arith.constant 32 : index
    %get3A_764 = tpu.vector_load %arg6[%get3A_762, %get3A_763] {strides = array<i32>} : memref<32x128xf32, #tpu.memory_space<vmem>>, vector<1x16xf32>,
    %get3A_765 = vector.shape_cast %get3A_764 : vector<1x16xf32> to vector<16xf32>
    %swap3A_766 = arith.constant 1 : i32
    %swap3A_767 = arith.index_cast %swap3A_766 : i32 to index
    %swap3A_768 = arith.constant 32 : index
    %swap3A_769 = tpu.vector_load %arg7[%swap3A_767, %swap3A_768] {strides = array<i32>} : memref<2x1024xf32, #tpu.memory_space<vmem>>, vector<1x16xf32>,
    %swap3A_770 = vector.shape_cast %swap3A_769 : vector<1x16xf32> to vector<16xf32>
    %swap3A_771 = vector.shape_cast %get3A_765 : vector<16xf32> to vector<1x16xf32>
    tpu.vector_store %arg7[%swap3A_767, %swap3A_768], %swap3A_771 {strides = array<i32>} : memref<2x1024xf32, #tpu.memory_space<vmem>>, vector<1x16xf32>,
    %get3A_772 = arith.constant 16 : i32
    %get3A_773 = arith.index_cast %get3A_772 : i32 to index
    %get3A_774 = arith.constant 48 : index
    %get3A_775 = tpu.vector_load %arg6[%get3A_773, %get3A_774] {strides = array<i32>} : memref<32x128xf32, #tpu.memory_space<vmem>>, vector<1x16xf32>,
    %get3A_776 = vector.shape_cast %get3A_775 : vector<1x16xf32> to vector<16xf32>
    %swap3A_777 = arith.constant 1 : i32
    %swap3A_778 = arith.index_cast %swap3A_777 : i32 to index
    %swap3A_779 = arith.constant 48 : index
    %swap3A_780 = tpu.vector_load %arg7[%swap3A_778, %swap3A_779] {strides = array<i32>} : memref<2x1024xf32, #tpu.memory_space<vmem>>, vector<1x16xf32>,
    %swap3A_781 = vector.shape_cast %swap3A_780 : vector<1x16xf32> to vector<16xf32>
    %swap3A_782 = vector.shape_cast %get3A_776 : vector<16xf32> to vector<1x16xf32>
    tpu.vector_store %arg7[%swap3A_778, %swap3A_779], %swap3A_782 {strides = array<i32>} : memref<2x1024xf32, #tpu.memory_space<vmem>>, vector<1x16xf32>,
    %get3A_783 = arith.constant 17 : i32
    %get3A_784 = arith.index_cast %get3A_783 : i32 to index
    %get3A_785 = arith.constant 0 : index
    %get3A_786 = tpu.vector_load %arg6[%get3A_784, %get3A_785] {strides = array<i32>} : memref<32x128xf32, #tpu.memory_space<vmem>>, vector<1x16xf32>,
    %get3A_787 = vector.shape_cast %get3A_786 : vector<1x16xf32> to vector<16xf32>
    %swap3A_788 = arith.constant 1 : i32
    %swap3A_789 = arith.index_cast %swap3A_788 : i32 to index
    %swap3A_790 = arith.constant 64 : index
    %swap3A_791 = tpu.vector_load %arg7[%swap3A_789, %swap3A_790] {strides = array<i32>} : memref<2x1024xf32, #tpu.memory_space<vmem>>, vector<1x16xf32>,
    %swap3A_792 = vector.shape_cast %swap3A_791 : vector<1x16xf32> to vector<16xf32>
    %swap3A_793 = vector.shape_cast %get3A_787 : vector<16xf32> to vector<1x16xf32>
    tpu.vector_store %arg7[%swap3A_789, %swap3A_790], %swap3A_793 {strides = array<i32>} : memref<2x1024xf32, #tpu.memory_space<vmem>>, vector<1x16xf32>,
    %get3A_794 = arith.constant 17 : i32
    %get3A_795 = arith.index_cast %get3A_794 : i32 to index
    %get3A_796 = arith.constant 16 : index
    %get3A_797 = tpu.vector_load %arg6[%get3A_795, %get3A_796] {strides = array<i32>} : memref<32x128xf32, #tpu.memory_space<vmem>>, vector<1x16xf32>,
    %get3A_798 = vector.shape_cast %get3A_797 : vector<1x16xf32> to vector<16xf32>
    %swap3A_799 = arith.constant 1 : i32
    %swap3A_800 = arith.index_cast %swap3A_799 : i32 to index
    %swap3A_801 = arith.constant 80 : index
    %swap3A_802 = tpu.vector_load %arg7[%swap3A_800, %swap3A_801] {strides = array<i32>} : memref<2x1024xf32, #tpu.memory_space<vmem>>, vector<1x16xf32>,
    %swap3A_803 = vector.shape_cast %swap3A_802 : vector<1x16xf32> to vector<16xf32>
    %swap3A_804 = vector.shape_cast %get3A_798 : vector<16xf32> to vector<1x16xf32>
    tpu.vector_store %arg7[%swap3A_800, %swap3A_801], %swap3A_804 {strides = array<i32>} : memref<2x1024xf32, #tpu.memory_space<vmem>>, vector<1x16xf32>,
    %get3A_805 = arith.constant 17 : i32
    %get3A_806 = arith.index_cast %get3A_805 : i32 to index
    %get3A_807 = arith.constant 32 : index
    %get3A_808 = tpu.vector_load %arg6[%get3A_806, %get3A_807] {strides = array<i32>} : memref<32x128xf32, #tpu.memory_space<vmem>>, vector<1x16xf32>,
    %get3A_809 = vector.shape_cast %get3A_808 : vector<1x16xf32> to vector<16xf32>
    %swap3A_810 = arith.constant 1 : i32
    %swap3A_811 = arith.index_cast %swap3A_810 : i32 to index
    %swap3A_812 = arith.constant 96 : index
    %swap3A_813 = tpu.vector_load %arg7[%swap3A_811, %swap3A_812] {strides = array<i32>} : memref<2x1024xf32, #tpu.memory_space<vmem>>, vector<1x16xf32>,
    %swap3A_814 = vector.shape_cast %swap3A_813 : vector<1x16xf32> to vector<16xf32>
    %swap3A_815 = vector.shape_cast %get3A_809 : vector<16xf32> to vector<1x16xf32>
    tpu.vector_store %arg7[%swap3A_811, %swap3A_812], %swap3A_815 {strides = array<i32>} : memref<2x1024xf32, #tpu.memory_space<vmem>>, vector<1x16xf32>,
    %get3A_816 = arith.constant 17 : i32
    %get3A_817 = arith.index_cast %get3A_816 : i32 to index
    %get3A_818 = arith.constant 48 : index
    %get3A_819 = tpu.vector_load %arg6[%get3A_817, %get3A_818] {strides = array<i32>} : memref<32x128xf32, #tpu.memory_space<vmem>>, vector<1x16xf32>,
    %get3A_820 = vector.shape_cast %get3A_819 : vector<1x16xf32> to vector<16xf32>
    %swap3A_821 = arith.constant 1 : i32
    %swap3A_822 = arith.index_cast %swap3A_821 : i32 to index
    %swap3A_823 = arith.constant 112 : index
    %swap3A_824 = tpu.vector_load %arg7[%swap3A_822, %swap3A_823] {strides = array<i32>} : memref<2x1024xf32, #tpu.memory_space<vmem>>, vector<1x16xf32>,
    %swap3A_825 = vector.shape_cast %swap3A_824 : vector<1x16xf32> to vector<16xf32>
    %swap3A_826 = vector.shape_cast %get3A_820 : vector<16xf32> to vector<1x16xf32>
    tpu.vector_store %arg7[%swap3A_822, %swap3A_823], %swap3A_826 {strides = array<i32>} : memref<2x1024xf32, #tpu.memory_space<vmem>>, vector<1x16xf32>,
    %get3A_827 = arith.constant 18 : i32
    %get3A_828 = arith.index_cast %get3A_827 : i32 to index
    %get3A_829 = arith.constant 0 : index
    %get3A_830 = tpu.vector_load %arg6[%get3A_828, %get3A_829] {strides = array<i32>} : memref<32x128xf32, #tpu.memory_space<vmem>>, vector<1x16xf32>,
    %get3A_831 = vector.shape_cast %get3A_830 : vector<1x16xf32> to vector<16xf32>
    %swap3A_832 = arith.constant 1 : i32
    %swap3A_833 = arith.index_cast %swap3A_832 : i32 to index
    %swap3A_834 = arith.constant 128 : index
    %swap3A_835 = tpu.vector_load %arg7[%swap3A_833, %swap3A_834] {strides = array<i32>} : memref<2x1024xf32, #tpu.memory_space<vmem>>, vector<1x16xf32>,
    %swap3A_836 = vector.shape_cast %swap3A_835 : vector<1x16xf32> to vector<16xf32>
    %swap3A_837 = vector.shape_cast %get3A_831 : vector<16xf32> to vector<1x16xf32>
    tpu.vector_store %arg7[%swap3A_833, %swap3A_834], %swap3A_837 {strides = array<i32>} : memref<2x1024xf32, #tpu.memory_space<vmem>>, vector<1x16xf32>,
    %get3A_838 = arith.constant 18 : i32
    %get3A_839 = arith.index_cast %get3A_838 : i32 to index
    %get3A_840 = arith.constant 16 : index
    %get3A_841 = tpu.vector_load %arg6[%get3A_839, %get3A_840] {strides = array<i32>} : memref<32x128xf32, #tpu.memory_space<vmem>>, vector<1x16xf32>,
    %get3A_842 = vector.shape_cast %get3A_841 : vector<1x16xf32> to vector<16xf32>
    %swap3A_843 = arith.constant 1 : i32
    %swap3A_844 = arith.index_cast %swap3A_843 : i32 to index
    %swap3A_845 = arith.constant 144 : index
    %swap3A_846 = tpu.vector_load %arg7[%swap3A_844, %swap3A_845] {strides = array<i32>} : memref<2x1024xf32, #tpu.memory_space<vmem>>, vector<1x16xf32>,
    %swap3A_847 = vector.shape_cast %swap3A_846 : vector<1x16xf32> to vector<16xf32>
    %swap3A_848 = vector.shape_cast %get3A_842 : vector<16xf32> to vector<1x16xf32>
    tpu.vector_store %arg7[%swap3A_844, %swap3A_845], %swap3A_848 {strides = array<i32>} : memref<2x1024xf32, #tpu.memory_space<vmem>>, vector<1x16xf32>,
    %get3A_849 = arith.constant 18 : i32
    %get3A_850 = arith.index_cast %get3A_849 : i32 to index
    %get3A_851 = arith.constant 32 : index
    %get3A_852 = tpu.vector_load %arg6[%get3A_850, %get3A_851] {strides = array<i32>} : memref<32x128xf32, #tpu.memory_space<vmem>>, vector<1x16xf32>,
    %get3A_853 = vector.shape_cast %get3A_852 : vector<1x16xf32> to vector<16xf32>
    %swap3A_854 = arith.constant 1 : i32
    %swap3A_855 = arith.index_cast %swap3A_854 : i32 to index
    %swap3A_856 = arith.constant 160 : index
    %swap3A_857 = tpu.vector_load %arg7[%swap3A_855, %swap3A_856] {strides = array<i32>} : memref<2x1024xf32, #tpu.memory_space<vmem>>, vector<1x16xf32>,
    %swap3A_858 = vector.shape_cast %swap3A_857 : vector<1x16xf32> to vector<16xf32>
    %swap3A_859 = vector.shape_cast %get3A_853 : vector<16xf32> to vector<1x16xf32>
    tpu.vector_store %arg7[%swap3A_855, %swap3A_856], %swap3A_859 {strides = array<i32>} : memref<2x1024xf32, #tpu.memory_space<vmem>>, vector<1x16xf32>,
    %get3A_860 = arith.constant 18 : i32
    %get3A_861 = arith.index_cast %get3A_860 : i32 to index
    %get3A_862 = arith.constant 48 : index
    %get3A_863 = tpu.vector_load %arg6[%get3A_861, %get3A_862] {strides = array<i32>} : memref<32x128xf32, #tpu.memory_space<vmem>>, vector<1x16xf32>,
    %get3A_864 = vector.shape_cast %get3A_863 : vector<1x16xf32> to vector<16xf32>
    %swap3A_865 = arith.constant 1 : i32
    %swap3A_866 = arith.index_cast %swap3A_865 : i32 to index
    %swap3A_867 = arith.constant 176 : index
    %swap3A_868 = tpu.vector_load %arg7[%swap3A_866, %swap3A_867] {strides = array<i32>} : memref<2x1024xf32, #tpu.memory_space<vmem>>, vector<1x16xf32>,
    %swap3A_869 = vector.shape_cast %swap3A_868 : vector<1x16xf32> to vector<16xf32>
    %swap3A_870 = vector.shape_cast %get3A_864 : vector<16xf32> to vector<1x16xf32>
    tpu.vector_store %arg7[%swap3A_866, %swap3A_867], %swap3A_870 {strides = array<i32>} : memref<2x1024xf32, #tpu.memory_space<vmem>>, vector<1x16xf32>,
    %get3A_871 = arith.constant 19 : i32
    %get3A_872 = arith.index_cast %get3A_871 : i32 to index
    %get3A_873 = arith.constant 0 : index
    %get3A_874 = tpu.vector_load %arg6[%get3A_872, %get3A_873] {strides = array<i32>} : memref<32x128xf32, #tpu.memory_space<vmem>>, vector<1x16xf32>,
    %get3A_875 = vector.shape_cast %get3A_874 : vector<1x16xf32> to vector<16xf32>
    %swap3A_876 = arith.constant 1 : i32
    %swap3A_877 = arith.index_cast %swap3A_876 : i32 to index
    %swap3A_878 = arith.constant 192 : index
    %swap3A_879 = tpu.vector_load %arg7[%swap3A_877, %swap3A_878] {strides = array<i32>} : memref<2x1024xf32, #tpu.memory_space<vmem>>, vector<1x16xf32>,
    %swap3A_880 = vector.shape_cast %swap3A_879 : vector<1x16xf32> to vector<16xf32>
    %swap3A_881 = vector.shape_cast %get3A_875 : vector<16xf32> to vector<1x16xf32>
    tpu.vector_store %arg7[%swap3A_877, %swap3A_878], %swap3A_881 {strides = array<i32>} : memref<2x1024xf32, #tpu.memory_space<vmem>>, vector<1x16xf32>,
    %get3A_882 = arith.constant 19 : i32
    %get3A_883 = arith.index_cast %get3A_882 : i32 to index
    %get3A_884 = arith.constant 16 : index
    %get3A_885 = tpu.vector_load %arg6[%get3A_883, %get3A_884] {strides = array<i32>} : memref<32x128xf32, #tpu.memory_space<vmem>>, vector<1x16xf32>,
    %get3A_886 = vector.shape_cast %get3A_885 : vector<1x16xf32> to vector<16xf32>
    %swap3A_887 = arith.constant 1 : i32
    %swap3A_888 = arith.index_cast %swap3A_887 : i32 to index
    %swap3A_889 = arith.constant 208 : index
    %swap3A_890 = tpu.vector_load %arg7[%swap3A_888, %swap3A_889] {strides = array<i32>} : memref<2x1024xf32, #tpu.memory_space<vmem>>, vector<1x16xf32>,
    %swap3A_891 = vector.shape_cast %swap3A_890 : vector<1x16xf32> to vector<16xf32>
    %swap3A_892 = vector.shape_cast %get3A_886 : vector<16xf32> to vector<1x16xf32>
    tpu.vector_store %arg7[%swap3A_888, %swap3A_889], %swap3A_892 {strides = array<i32>} : memref<2x1024xf32, #tpu.memory_space<vmem>>, vector<1x16xf32>,
    %get3A_893 = arith.constant 19 : i32
    %get3A_894 = arith.index_cast %get3A_893 : i32 to index
    %get3A_895 = arith.constant 32 : index
    %get3A_896 = tpu.vector_load %arg6[%get3A_894, %get3A_895] {strides = array<i32>} : memref<32x128xf32, #tpu.memory_space<vmem>>, vector<1x16xf32>,
    %get3A_897 = vector.shape_cast %get3A_896 : vector<1x16xf32> to vector<16xf32>
    %swap3A_898 = arith.constant 1 : i32
    %swap3A_899 = arith.index_cast %swap3A_898 : i32 to index
    %swap3A_900 = arith.constant 224 : index
    %swap3A_901 = tpu.vector_load %arg7[%swap3A_899, %swap3A_900] {strides = array<i32>} : memref<2x1024xf32, #tpu.memory_space<vmem>>, vector<1x16xf32>,
    %swap3A_902 = vector.shape_cast %swap3A_901 : vector<1x16xf32> to vector<16xf32>
    %swap3A_903 = vector.shape_cast %get3A_897 : vector<16xf32> to vector<1x16xf32>
    tpu.vector_store %arg7[%swap3A_899, %swap3A_900], %swap3A_903 {strides = array<i32>} : memref<2x1024xf32, #tpu.memory_space<vmem>>, vector<1x16xf32>,
    %get3A_904 = arith.constant 19 : i32
    %get3A_905 = arith.index_cast %get3A_904 : i32 to index
    %get3A_906 = arith.constant 48 : index
    %get3A_907 = tpu.vector_load %arg6[%get3A_905, %get3A_906] {strides = array<i32>} : memref<32x128xf32, #tpu.memory_space<vmem>>, vector<1x16xf32>,
    %get3A_908 = vector.shape_cast %get3A_907 : vector<1x16xf32> to vector<16xf32>
    %swap3A_909 = arith.constant 1 : i32
    %swap3A_910 = arith.index_cast %swap3A_909 : i32 to index
    %swap3A_911 = arith.constant 240 : index
    %swap3A_912 = tpu.vector_load %arg7[%swap3A_910, %swap3A_911] {strides = array<i32>} : memref<2x1024xf32, #tpu.memory_space<vmem>>, vector<1x16xf32>,
    %swap3A_913 = vector.shape_cast %swap3A_912 : vector<1x16xf32> to vector<16xf32>
    %swap3A_914 = vector.shape_cast %get3A_908 : vector<16xf32> to vector<1x16xf32>
    tpu.vector_store %arg7[%swap3A_910, %swap3A_911], %swap3A_914 {strides = array<i32>} : memref<2x1024xf32, #tpu.memory_space<vmem>>, vector<1x16xf32>,
    %get3A_915 = arith.constant 20 : i32
    %get3A_916 = arith.index_cast %get3A_915 : i32 to index
    %get3A_917 = arith.constant 0 : index
    %get3A_918 = tpu.vector_load %arg6[%get3A_916, %get3A_917] {strides = array<i32>} : memref<32x128xf32, #tpu.memory_space<vmem>>, vector<1x16xf32>,
    %get3A_919 = vector.shape_cast %get3A_918 : vector<1x16xf32> to vector<16xf32>
    %swap3A_920 = arith.constant 1 : i32
    %swap3A_921 = arith.index_cast %swap3A_920 : i32 to index
    %swap3A_922 = arith.constant 256 : index
    %swap3A_923 = tpu.vector_load %arg7[%swap3A_921, %swap3A_922] {strides = array<i32>} : memref<2x1024xf32, #tpu.memory_space<vmem>>, vector<1x16xf32>,
    %swap3A_924 = vector.shape_cast %swap3A_923 : vector<1x16xf32> to vector<16xf32>
    %swap3A_925 = vector.shape_cast %get3A_919 : vector<16xf32> to vector<1x16xf32>
    tpu.vector_store %arg7[%swap3A_921, %swap3A_922], %swap3A_925 {strides = array<i32>} : memref<2x1024xf32, #tpu.memory_space<vmem>>, vector<1x16xf32>,
    %get3A_926 = arith.constant 20 : i32
    %get3A_927 = arith.index_cast %get3A_926 : i32 to index
    %get3A_928 = arith.constant 16 : index
    %get3A_929 = tpu.vector_load %arg6[%get3A_927, %get3A_928] {strides = array<i32>} : memref<32x128xf32, #tpu.memory_space<vmem>>, vector<1x16xf32>,
    %get3A_930 = vector.shape_cast %get3A_929 : vector<1x16xf32> to vector<16xf32>
    %swap3A_931 = arith.constant 1 : i32
    %swap3A_932 = arith.index_cast %swap3A_931 : i32 to index
    %swap3A_933 = arith.constant 272 : index
    %swap3A_934 = tpu.vector_load %arg7[%swap3A_932, %swap3A_933] {strides = array<i32>} : memref<2x1024xf32, #tpu.memory_space<vmem>>, vector<1x16xf32>,
    %swap3A_935 = vector.shape_cast %swap3A_934 : vector<1x16xf32> to vector<16xf32>
    %swap3A_936 = vector.shape_cast %get3A_930 : vector<16xf32> to vector<1x16xf32>
    tpu.vector_store %arg7[%swap3A_932, %swap3A_933], %swap3A_936 {strides = array<i32>} : memref<2x1024xf32, #tpu.memory_space<vmem>>, vector<1x16xf32>,
    %get3A_937 = arith.constant 20 : i32
    %get3A_938 = arith.index_cast %get3A_937 : i32 to index
    %get3A_939 = arith.constant 32 : index
    %get3A_940 = tpu.vector_load %arg6[%get3A_938, %get3A_939] {strides = array<i32>} : memref<32x128xf32, #tpu.memory_space<vmem>>, vector<1x16xf32>,
    %get3A_941 = vector.shape_cast %get3A_940 : vector<1x16xf32> to vector<16xf32>
    %swap3A_942 = arith.constant 1 : i32
    %swap3A_943 = arith.index_cast %swap3A_942 : i32 to index
    %swap3A_944 = arith.constant 288 : index
    %swap3A_945 = tpu.vector_load %arg7[%swap3A_943, %swap3A_944] {strides = array<i32>} : memref<2x1024xf32, #tpu.memory_space<vmem>>, vector<1x16xf32>,
    %swap3A_946 = vector.shape_cast %swap3A_945 : vector<1x16xf32> to vector<16xf32>
    %swap3A_947 = vector.shape_cast %get3A_941 : vector<16xf32> to vector<1x16xf32>
    tpu.vector_store %arg7[%swap3A_943, %swap3A_944], %swap3A_947 {strides = array<i32>} : memref<2x1024xf32, #tpu.memory_space<vmem>>, vector<1x16xf32>,
    %get3A_948 = arith.constant 20 : i32
    %get3A_949 = arith.index_cast %get3A_948 : i32 to index
    %get3A_950 = arith.constant 48 : index
    %get3A_951 = tpu.vector_load %arg6[%get3A_949, %get3A_950] {strides = array<i32>} : memref<32x128xf32, #tpu.memory_space<vmem>>, vector<1x16xf32>,
    %get3A_952 = vector.shape_cast %get3A_951 : vector<1x16xf32> to vector<16xf32>
    %swap3A_953 = arith.constant 1 : i32
    %swap3A_954 = arith.index_cast %swap3A_953 : i32 to index
    %swap3A_955 = arith.constant 304 : index
    %swap3A_956 = tpu.vector_load %arg7[%swap3A_954, %swap3A_955] {strides = array<i32>} : memref<2x1024xf32, #tpu.memory_space<vmem>>, vector<1x16xf32>,
    %swap3A_957 = vector.shape_cast %swap3A_956 : vector<1x16xf32> to vector<16xf32>
    %swap3A_958 = vector.shape_cast %get3A_952 : vector<16xf32> to vector<1x16xf32>
    tpu.vector_store %arg7[%swap3A_954, %swap3A_955], %swap3A_958 {strides = array<i32>} : memref<2x1024xf32, #tpu.memory_space<vmem>>, vector<1x16xf32>,
    %get3A_959 = arith.constant 21 : i32
    %get3A_960 = arith.index_cast %get3A_959 : i32 to index
    %get3A_961 = arith.constant 0 : index
    %get3A_962 = tpu.vector_load %arg6[%get3A_960, %get3A_961] {strides = array<i32>} : memref<32x128xf32, #tpu.memory_space<vmem>>, vector<1x16xf32>,
    %get3A_963 = vector.shape_cast %get3A_962 : vector<1x16xf32> to vector<16xf32>
    %swap3A_964 = arith.constant 1 : i32
    %swap3A_965 = arith.index_cast %swap3A_964 : i32 to index
    %swap3A_966 = arith.constant 320 : index
    %swap3A_967 = tpu.vector_load %arg7[%swap3A_965, %swap3A_966] {strides = array<i32>} : memref<2x1024xf32, #tpu.memory_space<vmem>>, vector<1x16xf32>,
    %swap3A_968 = vector.shape_cast %swap3A_967 : vector<1x16xf32> to vector<16xf32>
    %swap3A_969 = vector.shape_cast %get3A_963 : vector<16xf32> to vector<1x16xf32>
    tpu.vector_store %arg7[%swap3A_965, %swap3A_966], %swap3A_969 {strides = array<i32>} : memref<2x1024xf32, #tpu.memory_space<vmem>>, vector<1x16xf32>,
    %get3A_970 = arith.constant 21 : i32
    %get3A_971 = arith.index_cast %get3A_970 : i32 to index
    %get3A_972 = arith.constant 16 : index
    %get3A_973 = tpu.vector_load %arg6[%get3A_971, %get3A_972] {strides = array<i32>} : memref<32x128xf32, #tpu.memory_space<vmem>>, vector<1x16xf32>,
    %get3A_974 = vector.shape_cast %get3A_973 : vector<1x16xf32> to vector<16xf32>
    %swap3A_975 = arith.constant 1 : i32
    %swap3A_976 = arith.index_cast %swap3A_975 : i32 to index
    %swap3A_977 = arith.constant 336 : index
    %swap3A_978 = tpu.vector_load %arg7[%swap3A_976, %swap3A_977] {strides = array<i32>} : memref<2x1024xf32, #tpu.memory_space<vmem>>, vector<1x16xf32>,
    %swap3A_979 = vector.shape_cast %swap3A_978 : vector<1x16xf32> to vector<16xf32>
    %swap3A_980 = vector.shape_cast %get3A_974 : vector<16xf32> to vector<1x16xf32>
    tpu.vector_store %arg7[%swap3A_976, %swap3A_977], %swap3A_980 {strides = array<i32>} : memref<2x1024xf32, #tpu.memory_space<vmem>>, vector<1x16xf32>,
    %get3A_981 = arith.constant 21 : i32
    %get3A_982 = arith.index_cast %get3A_981 : i32 to index
    %get3A_983 = arith.constant 32 : index
    %get3A_984 = tpu.vector_load %arg6[%get3A_982, %get3A_983] {strides = array<i32>} : memref<32x128xf32, #tpu.memory_space<vmem>>, vector<1x16xf32>,
    %get3A_985 = vector.shape_cast %get3A_984 : vector<1x16xf32> to vector<16xf32>
    %swap3A_986 = arith.constant 1 : i32
    %swap3A_987 = arith.index_cast %swap3A_986 : i32 to index
    %swap3A_988 = arith.constant 352 : index
    %swap3A_989 = tpu.vector_load %arg7[%swap3A_987, %swap3A_988] {strides = array<i32>} : memref<2x1024xf32, #tpu.memory_space<vmem>>, vector<1x16xf32>,
    %swap3A_990 = vector.shape_cast %swap3A_989 : vector<1x16xf32> to vector<16xf32>
    %swap3A_991 = vector.shape_cast %get3A_985 : vector<16xf32> to vector<1x16xf32>
    tpu.vector_store %arg7[%swap3A_987, %swap3A_988], %swap3A_991 {strides = array<i32>} : memref<2x1024xf32, #tpu.memory_space<vmem>>, vector<1x16xf32>,
    %get3A_992 = arith.constant 21 : i32
    %get3A_993 = arith.index_cast %get3A_992 : i32 to index
    %get3A_994 = arith.constant 48 : index
    %get3A_995 = tpu.vector_load %arg6[%get3A_993, %get3A_994] {strides = array<i32>} : memref<32x128xf32, #tpu.memory_space<vmem>>, vector<1x16xf32>,
    %get3A_996 = vector.shape_cast %get3A_995 : vector<1x16xf32> to vector<16xf32>
    %swap3A_997 = arith.constant 1 : i32
    %swap3A_998 = arith.index_cast %swap3A_997 : i32 to index
    %swap3A_999 = arith.constant 368 : index
    %swap3A_1000 = tpu.vector_load %arg7[%swap3A_998, %swap3A_999] {strides = array<i32>} : memref<2x1024xf32, #tpu.memory_space<vmem>>, vector<1x16xf32>,
    %swap3A_1001 = vector.shape_cast %swap3A_1000 : vector<1x16xf32> to vector<16xf32>
    %swap3A_1002 = vector.shape_cast %get3A_996 : vector<16xf32> to vector<1x16xf32>
    tpu.vector_store %arg7[%swap3A_998, %swap3A_999], %swap3A_1002 {strides = array<i32>} : memref<2x1024xf32, #tpu.memory_space<vmem>>, vector<1x16xf32>,
    %get3A_1003 = arith.constant 22 : i32
    %get3A_1004 = arith.index_cast %get3A_1003 : i32 to index
    %get3A_1005 = arith.constant 0 : index
    %get3A_1006 = tpu.vector_load %arg6[%get3A_1004, %get3A_1005] {strides = array<i32>} : memref<32x128xf32, #tpu.memory_space<vmem>>, vector<1x16xf32>,
    %get3A_1007 = vector.shape_cast %get3A_1006 : vector<1x16xf32> to vector<16xf32>
    %swap3A_1008 = arith.constant 1 : i32
    %swap3A_1009 = arith.index_cast %swap3A_1008 : i32 to index
    %swap3A_1010 = arith.constant 384 : index
    %swap3A_1011 = tpu.vector_load %arg7[%swap3A_1009, %swap3A_1010] {strides = array<i32>} : memref<2x1024xf32, #tpu.memory_space<vmem>>, vector<1x16xf32>,
    %swap3A_1012 = vector.shape_cast %swap3A_1011 : vector<1x16xf32> to vector<16xf32>
    %swap3A_1013 = vector.shape_cast %get3A_1007 : vector<16xf32> to vector<1x16xf32>
    tpu.vector_store %arg7[%swap3A_1009, %swap3A_1010], %swap3A_1013 {strides = array<i32>} : memref<2x1024xf32, #tpu.memory_space<vmem>>, vector<1x16xf32>,
    %get3A_1014 = arith.constant 22 : i32
    %get3A_1015 = arith.index_cast %get3A_1014 : i32 to index
    %get3A_1016 = arith.constant 16 : index
    %get3A_1017 = tpu.vector_load %arg6[%get3A_1015, %get3A_1016] {strides = array<i32>} : memref<32x128xf32, #tpu.memory_space<vmem>>, vector<1x16xf32>,
    %get3A_1018 = vector.shape_cast %get3A_1017 : vector<1x16xf32> to vector<16xf32>
    %swap3A_1019 = arith.constant 1 : i32
    %swap3A_1020 = arith.index_cast %swap3A_1019 : i32 to index
    %swap3A_1021 = arith.constant 400 : index
    %swap3A_1022 = tpu.vector_load %arg7[%swap3A_1020, %swap3A_1021] {strides = array<i32>} : memref<2x1024xf32, #tpu.memory_space<vmem>>, vector<1x16xf32>,
    %swap3A_1023 = vector.shape_cast %swap3A_1022 : vector<1x16xf32> to vector<16xf32>
    %swap3A_1024 = vector.shape_cast %get3A_1018 : vector<16xf32> to vector<1x16xf32>
    tpu.vector_store %arg7[%swap3A_1020, %swap3A_1021], %swap3A_1024 {strides = array<i32>} : memref<2x1024xf32, #tpu.memory_space<vmem>>, vector<1x16xf32>,
    %get3A_1025 = arith.constant 22 : i32
    %get3A_1026 = arith.index_cast %get3A_1025 : i32 to index
    %get3A_1027 = arith.constant 32 : index
    %get3A_1028 = tpu.vector_load %arg6[%get3A_1026, %get3A_1027] {strides = array<i32>} : memref<32x128xf32, #tpu.memory_space<vmem>>, vector<1x16xf32>,
    %get3A_1029 = vector.shape_cast %get3A_1028 : vector<1x16xf32> to vector<16xf32>
    %swap3A_1030 = arith.constant 1 : i32
    %swap3A_1031 = arith.index_cast %swap3A_1030 : i32 to index
    %swap3A_1032 = arith.constant 416 : index
    %swap3A_1033 = tpu.vector_load %arg7[%swap3A_1031, %swap3A_1032] {strides = array<i32>} : memref<2x1024xf32, #tpu.memory_space<vmem>>, vector<1x16xf32>,
    %swap3A_1034 = vector.shape_cast %swap3A_1033 : vector<1x16xf32> to vector<16xf32>
    %swap3A_1035 = vector.shape_cast %get3A_1029 : vector<16xf32> to vector<1x16xf32>
    tpu.vector_store %arg7[%swap3A_1031, %swap3A_1032], %swap3A_1035 {strides = array<i32>} : memref<2x1024xf32, #tpu.memory_space<vmem>>, vector<1x16xf32>,
    %get3A_1036 = arith.constant 22 : i32
    %get3A_1037 = arith.index_cast %get3A_1036 : i32 to index
    %get3A_1038 = arith.constant 48 : index
    %get3A_1039 = tpu.vector_load %arg6[%get3A_1037, %get3A_1038] {strides = array<i32>} : memref<32x128xf32, #tpu.memory_space<vmem>>, vector<1x16xf32>,
    %get3A_1040 = vector.shape_cast %get3A_1039 : vector<1x16xf32> to vector<16xf32>
    %swap3A_1041 = arith.constant 1 : i32
    %swap3A_1042 = arith.index_cast %swap3A_1041 : i32 to index
    %swap3A_1043 = arith.constant 432 : index
    %swap3A_1044 = tpu.vector_load %arg7[%swap3A_1042, %swap3A_1043] {strides = array<i32>} : memref<2x1024xf32, #tpu.memory_space<vmem>>, vector<1x16xf32>,
    %swap3A_1045 = vector.shape_cast %swap3A_1044 : vector<1x16xf32> to vector<16xf32>
    %swap3A_1046 = vector.shape_cast %get3A_1040 : vector<16xf32> to vector<1x16xf32>
    tpu.vector_store %arg7[%swap3A_1042, %swap3A_1043], %swap3A_1046 {strides = array<i32>} : memref<2x1024xf32, #tpu.memory_space<vmem>>, vector<1x16xf32>,
    %get3A_1047 = arith.constant 23 : i32
    %get3A_1048 = arith.index_cast %get3A_1047 : i32 to index
    %get3A_1049 = arith.constant 0 : index
    %get3A_1050 = tpu.vector_load %arg6[%get3A_1048, %get3A_1049] {strides = array<i32>} : memref<32x128xf32, #tpu.memory_space<vmem>>, vector<1x16xf32>,
    %get3A_1051 = vector.shape_cast %get3A_1050 : vector<1x16xf32> to vector<16xf32>
    %swap3A_1052 = arith.constant 1 : i32
    %swap3A_1053 = arith.index_cast %swap3A_1052 : i32 to index
    %swap3A_1054 = arith.constant 448 : index
    %swap3A_1055 = tpu.vector_load %arg7[%swap3A_1053, %swap3A_1054] {strides = array<i32>} : memref<2x1024xf32, #tpu.memory_space<vmem>>, vector<1x16xf32>,
    %swap3A_1056 = vector.shape_cast %swap3A_1055 : vector<1x16xf32> to vector<16xf32>
    %swap3A_1057 = vector.shape_cast %get3A_1051 : vector<16xf32> to vector<1x16xf32>
    tpu.vector_store %arg7[%swap3A_1053, %swap3A_1054], %swap3A_1057 {strides = array<i32>} : memref<2x1024xf32, #tpu.memory_space<vmem>>, vector<1x16xf32>,
    %get3A_1058 = arith.constant 23 : i32
    %get3A_1059 = arith.index_cast %get3A_1058 : i32 to index
    %get3A_1060 = arith.constant 16 : index
    %get3A_1061 = tpu.vector_load %arg6[%get3A_1059, %get3A_1060] {strides = array<i32>} : memref<32x128xf32, #tpu.memory_space<vmem>>, vector<1x16xf32>,
    %get3A_1062 = vector.shape_cast %get3A_1061 : vector<1x16xf32> to vector<16xf32>
    %swap3A_1063 = arith.constant 1 : i32
    %swap3A_1064 = arith.index_cast %swap3A_1063 : i32 to index
    %swap3A_1065 = arith.constant 464 : index
    %swap3A_1066 = tpu.vector_load %arg7[%swap3A_1064, %swap3A_1065] {strides = array<i32>} : memref<2x1024xf32, #tpu.memory_space<vmem>>, vector<1x16xf32>,
    %swap3A_1067 = vector.shape_cast %swap3A_1066 : vector<1x16xf32> to vector<16xf32>
    %swap3A_1068 = vector.shape_cast %get3A_1062 : vector<16xf32> to vector<1x16xf32>
    tpu.vector_store %arg7[%swap3A_1064, %swap3A_1065], %swap3A_1068 {strides = array<i32>} : memref<2x1024xf32, #tpu.memory_space<vmem>>, vector<1x16xf32>,
    %get3A_1069 = arith.constant 23 : i32
    %get3A_1070 = arith.index_cast %get3A_1069 : i32 to index
    %get3A_1071 = arith.constant 32 : index
    %get3A_1072 = tpu.vector_load %arg6[%get3A_1070, %get3A_1071] {strides = array<i32>} : memref<32x128xf32, #tpu.memory_space<vmem>>, vector<1x16xf32>,
    %get3A_1073 = vector.shape_cast %get3A_1072 : vector<1x16xf32> to vector<16xf32>
    %swap3A_1074 = arith.constant 1 : i32
    %swap3A_1075 = arith.index_cast %swap3A_1074 : i32 to index
    %swap3A_1076 = arith.constant 480 : index
    %swap3A_1077 = tpu.vector_load %arg7[%swap3A_1075, %swap3A_1076] {strides = array<i32>} : memref<2x1024xf32, #tpu.memory_space<vmem>>, vector<1x16xf32>,
    %swap3A_1078 = vector.shape_cast %swap3A_1077 : vector<1x16xf32> to vector<16xf32>
    %swap3A_1079 = vector.shape_cast %get3A_1073 : vector<16xf32> to vector<1x16xf32>
    tpu.vector_store %arg7[%swap3A_1075, %swap3A_1076], %swap3A_1079 {strides = array<i32>} : memref<2x1024xf32, #tpu.memory_space<vmem>>, vector<1x16xf32>,
    %get3A_1080 = arith.constant 23 : i32
    %get3A_1081 = arith.index_cast %get3A_1080 : i32 to index
    %get3A_1082 = arith.constant 48 : index
    %get3A_1083 = tpu.vector_load %arg6[%get3A_1081, %get3A_1082] {strides = array<i32>} : memref<32x128xf32, #tpu.memory_space<vmem>>, vector<1x16xf32>,
    %get3A_1084 = vector.shape_cast %get3A_1083 : vector<1x16xf32> to vector<16xf32>
    %swap3A_1085 = arith.constant 1 : i32
    %swap3A_1086 = arith.index_cast %swap3A_1085 : i32 to index
    %swap3A_1087 = arith.constant 496 : index
    %swap3A_1088 = tpu.vector_load %arg7[%swap3A_1086, %swap3A_1087] {strides = array<i32>} : memref<2x1024xf32, #tpu.memory_space<vmem>>, vector<1x16xf32>,
    %swap3A_1089 = vector.shape_cast %swap3A_1088 : vector<1x16xf32> to vector<16xf32>
    %swap3A_1090 = vector.shape_cast %get3A_1084 : vector<16xf32> to vector<1x16xf32>
    tpu.vector_store %arg7[%swap3A_1086, %swap3A_1087], %swap3A_1090 {strides = array<i32>} : memref<2x1024xf32, #tpu.memory_space<vmem>>, vector<1x16xf32>,
    %get3A_1091 = arith.constant 24 : i32
    %get3A_1092 = arith.index_cast %get3A_1091 : i32 to index
    %get3A_1093 = arith.constant 0 : index
    %get3A_1094 = tpu.vector_load %arg6[%get3A_1092, %get3A_1093] {strides = array<i32>} : memref<32x128xf32, #tpu.memory_space<vmem>>, vector<1x16xf32>,
    %get3A_1095 = vector.shape_cast %get3A_1094 : vector<1x16xf32> to vector<16xf32>
    %swap3A_1096 = arith.constant 1 : i32
    %swap3A_1097 = arith.index_cast %swap3A_1096 : i32 to index
    %swap3A_1098 = arith.constant 512 : index
    %swap3A_1099 = tpu.vector_load %arg7[%swap3A_1097, %swap3A_1098] {strides = array<i32>} : memref<2x1024xf32, #tpu.memory_space<vmem>>, vector<1x16xf32>,
    %swap3A_1100 = vector.shape_cast %swap3A_1099 : vector<1x16xf32> to vector<16xf32>
    %swap3A_1101 = vector.shape_cast %get3A_1095 : vector<16xf32> to vector<1x16xf32>
    tpu.vector_store %arg7[%swap3A_1097, %swap3A_1098], %swap3A_1101 {strides = array<i32>} : memref<2x1024xf32, #tpu.memory_space<vmem>>, vector<1x16xf32>,
    %get3A_1102 = arith.constant 24 : i32
    %get3A_1103 = arith.index_cast %get3A_1102 : i32 to index
    %get3A_1104 = arith.constant 16 : index
    %get3A_1105 = tpu.vector_load %arg6[%get3A_1103, %get3A_1104] {strides = array<i32>} : memref<32x128xf32, #tpu.memory_space<vmem>>, vector<1x16xf32>,
    %get3A_1106 = vector.shape_cast %get3A_1105 : vector<1x16xf32> to vector<16xf32>
    %swap3A_1107 = arith.constant 1 : i32
    %swap3A_1108 = arith.index_cast %swap3A_1107 : i32 to index
    %swap3A_1109 = arith.constant 528 : index
    %swap3A_1110 = tpu.vector_load %arg7[%swap3A_1108, %swap3A_1109] {strides = array<i32>} : memref<2x1024xf32, #tpu.memory_space<vmem>>, vector<1x16xf32>,
    %swap3A_1111 = vector.shape_cast %swap3A_1110 : vector<1x16xf32> to vector<16xf32>
    %swap3A_1112 = vector.shape_cast %get3A_1106 : vector<16xf32> to vector<1x16xf32>
    tpu.vector_store %arg7[%swap3A_1108, %swap3A_1109], %swap3A_1112 {strides = array<i32>} : memref<2x1024xf32, #tpu.memory_space<vmem>>, vector<1x16xf32>,
    %get3A_1113 = arith.constant 24 : i32
    %get3A_1114 = arith.index_cast %get3A_1113 : i32 to index
    %get3A_1115 = arith.constant 32 : index
    %get3A_1116 = tpu.vector_load %arg6[%get3A_1114, %get3A_1115] {strides = array<i32>} : memref<32x128xf32, #tpu.memory_space<vmem>>, vector<1x16xf32>,
    %get3A_1117 = vector.shape_cast %get3A_1116 : vector<1x16xf32> to vector<16xf32>
    %swap3A_1118 = arith.constant 1 : i32
    %swap3A_1119 = arith.index_cast %swap3A_1118 : i32 to index
    %swap3A_1120 = arith.constant 544 : index
    %swap3A_1121 = tpu.vector_load %arg7[%swap3A_1119, %swap3A_1120] {strides = array<i32>} : memref<2x1024xf32, #tpu.memory_space<vmem>>, vector<1x16xf32>,
    %swap3A_1122 = vector.shape_cast %swap3A_1121 : vector<1x16xf32> to vector<16xf32>
    %swap3A_1123 = vector.shape_cast %get3A_1117 : vector<16xf32> to vector<1x16xf32>
    tpu.vector_store %arg7[%swap3A_1119, %swap3A_1120], %swap3A_1123 {strides = array<i32>} : memref<2x1024xf32, #tpu.memory_space<vmem>>, vector<1x16xf32>,
    %get3A_1124 = arith.constant 24 : i32
    %get3A_1125 = arith.index_cast %get3A_1124 : i32 to index
    %get3A_1126 = arith.constant 48 : index
    %get3A_1127 = tpu.vector_load %arg6[%get3A_1125, %get3A_1126] {strides = array<i32>} : memref<32x128xf32, #tpu.memory_space<vmem>>, vector<1x16xf32>,
    %get3A_1128 = vector.shape_cast %get3A_1127 : vector<1x16xf32> to vector<16xf32>
    %swap3A_1129 = arith.constant 1 : i32
    %swap3A_1130 = arith.index_cast %swap3A_1129 : i32 to index
    %swap3A_1131 = arith.constant 560 : index
    %swap3A_1132 = tpu.vector_load %arg7[%swap3A_1130, %swap3A_1131] {strides = array<i32>} : memref<2x1024xf32, #tpu.memory_space<vmem>>, vector<1x16xf32>,
    %swap3A_1133 = vector.shape_cast %swap3A_1132 : vector<1x16xf32> to vector<16xf32>
    %swap3A_1134 = vector.shape_cast %get3A_1128 : vector<16xf32> to vector<1x16xf32>
    tpu.vector_store %arg7[%swap3A_1130, %swap3A_1131], %swap3A_1134 {strides = array<i32>} : memref<2x1024xf32, #tpu.memory_space<vmem>>, vector<1x16xf32>,
    %get3A_1135 = arith.constant 25 : i32
    %get3A_1136 = arith.index_cast %get3A_1135 : i32 to index
    %get3A_1137 = arith.constant 0 : index
    %get3A_1138 = tpu.vector_load %arg6[%get3A_1136, %get3A_1137] {strides = array<i32>} : memref<32x128xf32, #tpu.memory_space<vmem>>, vector<1x16xf32>,
    %get3A_1139 = vector.shape_cast %get3A_1138 : vector<1x16xf32> to vector<16xf32>
    %swap3A_1140 = arith.constant 1 : i32
    %swap3A_1141 = arith.index_cast %swap3A_1140 : i32 to index
    %swap3A_1142 = arith.constant 576 : index
    %swap3A_1143 = tpu.vector_load %arg7[%swap3A_1141, %swap3A_1142] {strides = array<i32>} : memref<2x1024xf32, #tpu.memory_space<vmem>>, vector<1x16xf32>,
    %swap3A_1144 = vector.shape_cast %swap3A_1143 : vector<1x16xf32> to vector<16xf32>
    %swap3A_1145 = vector.shape_cast %get3A_1139 : vector<16xf32> to vector<1x16xf32>
    tpu.vector_store %arg7[%swap3A_1141, %swap3A_1142], %swap3A_1145 {strides = array<i32>} : memref<2x1024xf32, #tpu.memory_space<vmem>>, vector<1x16xf32>,
    %get3A_1146 = arith.constant 25 : i32
    %get3A_1147 = arith.index_cast %get3A_1146 : i32 to index
    %get3A_1148 = arith.constant 16 : index
    %get3A_1149 = tpu.vector_load %arg6[%get3A_1147, %get3A_1148] {strides = array<i32>} : memref<32x128xf32, #tpu.memory_space<vmem>>, vector<1x16xf32>,
    %get3A_1150 = vector.shape_cast %get3A_1149 : vector<1x16xf32> to vector<16xf32>
    %swap3A_1151 = arith.constant 1 : i32
    %swap3A_1152 = arith.index_cast %swap3A_1151 : i32 to index
    %swap3A_1153 = arith.constant 592 : index
    %swap3A_1154 = tpu.vector_load %arg7[%swap3A_1152, %swap3A_1153] {strides = array<i32>} : memref<2x1024xf32, #tpu.memory_space<vmem>>, vector<1x16xf32>,
    %swap3A_1155 = vector.shape_cast %swap3A_1154 : vector<1x16xf32> to vector<16xf32>
    %swap3A_1156 = vector.shape_cast %get3A_1150 : vector<16xf32> to vector<1x16xf32>
    tpu.vector_store %arg7[%swap3A_1152, %swap3A_1153], %swap3A_1156 {strides = array<i32>} : memref<2x1024xf32, #tpu.memory_space<vmem>>, vector<1x16xf32>,
    %get3A_1157 = arith.constant 25 : i32
    %get3A_1158 = arith.index_cast %get3A_1157 : i32 to index
    %get3A_1159 = arith.constant 32 : index
    %get3A_1160 = tpu.vector_load %arg6[%get3A_1158, %get3A_1159] {strides = array<i32>} : memref<32x128xf32, #tpu.memory_space<vmem>>, vector<1x16xf32>,
    %get3A_1161 = vector.shape_cast %get3A_1160 : vector<1x16xf32> to vector<16xf32>
    %swap3A_1162 = arith.constant 1 : i32
    %swap3A_1163 = arith.index_cast %swap3A_1162 : i32 to index
    %swap3A_1164 = arith.constant 608 : index
    %swap3A_1165 = tpu.vector_load %arg7[%swap3A_1163, %swap3A_1164] {strides = array<i32>} : memref<2x1024xf32, #tpu.memory_space<vmem>>, vector<1x16xf32>,
    %swap3A_1166 = vector.shape_cast %swap3A_1165 : vector<1x16xf32> to vector<16xf32>
    %swap3A_1167 = vector.shape_cast %get3A_1161 : vector<16xf32> to vector<1x16xf32>
    tpu.vector_store %arg7[%swap3A_1163, %swap3A_1164], %swap3A_1167 {strides = array<i32>} : memref<2x1024xf32, #tpu.memory_space<vmem>>, vector<1x16xf32>,
    %get3A_1168 = arith.constant 25 : i32
    %get3A_1169 = arith.index_cast %get3A_1168 : i32 to index
    %get3A_1170 = arith.constant 48 : index
    %get3A_1171 = tpu.vector_load %arg6[%get3A_1169, %get3A_1170] {strides = array<i32>} : memref<32x128xf32, #tpu.memory_space<vmem>>, vector<1x16xf32>,
    %get3A_1172 = vector.shape_cast %get3A_1171 : vector<1x16xf32> to vector<16xf32>
    %swap3A_1173 = arith.constant 1 : i32
    %swap3A_1174 = arith.index_cast %swap3A_1173 : i32 to index
    %swap3A_1175 = arith.constant 624 : index
    %swap3A_1176 = tpu.vector_load %arg7[%swap3A_1174, %swap3A_1175] {strides = array<i32>} : memref<2x1024xf32, #tpu.memory_space<vmem>>, vector<1x16xf32>,
    %swap3A_1177 = vector.shape_cast %swap3A_1176 : vector<1x16xf32> to vector<16xf32>
    %swap3A_1178 = vector.shape_cast %get3A_1172 : vector<16xf32> to vector<1x16xf32>
    tpu.vector_store %arg7[%swap3A_1174, %swap3A_1175], %swap3A_1178 {strides = array<i32>} : memref<2x1024xf32, #tpu.memory_space<vmem>>, vector<1x16xf32>,
    %get3A_1179 = arith.constant 26 : i32
    %get3A_1180 = arith.index_cast %get3A_1179 : i32 to index
    %get3A_1181 = arith.constant 0 : index
    %get3A_1182 = tpu.vector_load %arg6[%get3A_1180, %get3A_1181] {strides = array<i32>} : memref<32x128xf32, #tpu.memory_space<vmem>>, vector<1x16xf32>,
    %get3A_1183 = vector.shape_cast %get3A_1182 : vector<1x16xf32> to vector<16xf32>
    %swap3A_1184 = arith.constant 1 : i32
    %swap3A_1185 = arith.index_cast %swap3A_1184 : i32 to index
    %swap3A_1186 = arith.constant 640 : index
    %swap3A_1187 = tpu.vector_load %arg7[%swap3A_1185, %swap3A_1186] {strides = array<i32>} : memref<2x1024xf32, #tpu.memory_space<vmem>>, vector<1x16xf32>,
    %swap3A_1188 = vector.shape_cast %swap3A_1187 : vector<1x16xf32> to vector<16xf32>
    %swap3A_1189 = vector.shape_cast %get3A_1183 : vector<16xf32> to vector<1x16xf32>
    tpu.vector_store %arg7[%swap3A_1185, %swap3A_1186], %swap3A_1189 {strides = array<i32>} : memref<2x1024xf32, #tpu.memory_space<vmem>>, vector<1x16xf32>,
    %get3A_1190 = arith.constant 26 : i32
    %get3A_1191 = arith.index_cast %get3A_1190 : i32 to index
    %get3A_1192 = arith.constant 16 : index
    %get3A_1193 = tpu.vector_load %arg6[%get3A_1191, %get3A_1192] {strides = array<i32>} : memref<32x128xf32, #tpu.memory_space<vmem>>, vector<1x16xf32>,
    %get3A_1194 = vector.shape_cast %get3A_1193 : vector<1x16xf32> to vector<16xf32>
    %swap3A_1195 = arith.constant 1 : i32
    %swap3A_1196 = arith.index_cast %swap3A_1195 : i32 to index
    %swap3A_1197 = arith.constant 656 : index
    %swap3A_1198 = tpu.vector_load %arg7[%swap3A_1196, %swap3A_1197] {strides = array<i32>} : memref<2x1024xf32, #tpu.memory_space<vmem>>, vector<1x16xf32>,
    %swap3A_1199 = vector.shape_cast %swap3A_1198 : vector<1x16xf32> to vector<16xf32>
    %swap3A_1200 = vector.shape_cast %get3A_1194 : vector<16xf32> to vector<1x16xf32>
    tpu.vector_store %arg7[%swap3A_1196, %swap3A_1197], %swap3A_1200 {strides = array<i32>} : memref<2x1024xf32, #tpu.memory_space<vmem>>, vector<1x16xf32>,
    %get3A_1201 = arith.constant 26 : i32
    %get3A_1202 = arith.index_cast %get3A_1201 : i32 to index
    %get3A_1203 = arith.constant 32 : index
    %get3A_1204 = tpu.vector_load %arg6[%get3A_1202, %get3A_1203] {strides = array<i32>} : memref<32x128xf32, #tpu.memory_space<vmem>>, vector<1x16xf32>,
    %get3A_1205 = vector.shape_cast %get3A_1204 : vector<1x16xf32> to vector<16xf32>
    %swap3A_1206 = arith.constant 1 : i32
    %swap3A_1207 = arith.index_cast %swap3A_1206 : i32 to index
    %swap3A_1208 = arith.constant 672 : index
    %swap3A_1209 = tpu.vector_load %arg7[%swap3A_1207, %swap3A_1208] {strides = array<i32>} : memref<2x1024xf32, #tpu.memory_space<vmem>>, vector<1x16xf32>,
    %swap3A_1210 = vector.shape_cast %swap3A_1209 : vector<1x16xf32> to vector<16xf32>
    %swap3A_1211 = vector.shape_cast %get3A_1205 : vector<16xf32> to vector<1x16xf32>
    tpu.vector_store %arg7[%swap3A_1207, %swap3A_1208], %swap3A_1211 {strides = array<i32>} : memref<2x1024xf32, #tpu.memory_space<vmem>>, vector<1x16xf32>,
    %get3A_1212 = arith.constant 26 : i32
    %get3A_1213 = arith.index_cast %get3A_1212 : i32 to index
    %get3A_1214 = arith.constant 48 : index
    %get3A_1215 = tpu.vector_load %arg6[%get3A_1213, %get3A_1214] {strides = array<i32>} : memref<32x128xf32, #tpu.memory_space<vmem>>, vector<1x16xf32>,
    %get3A_1216 = vector.shape_cast %get3A_1215 : vector<1x16xf32> to vector<16xf32>
    %swap3A_1217 = arith.constant 1 : i32
    %swap3A_1218 = arith.index_cast %swap3A_1217 : i32 to index
    %swap3A_1219 = arith.constant 688 : index
    %swap3A_1220 = tpu.vector_load %arg7[%swap3A_1218, %swap3A_1219] {strides = array<i32>} : memref<2x1024xf32, #tpu.memory_space<vmem>>, vector<1x16xf32>,
    %swap3A_1221 = vector.shape_cast %swap3A_1220 : vector<1x16xf32> to vector<16xf32>
    %swap3A_1222 = vector.shape_cast %get3A_1216 : vector<16xf32> to vector<1x16xf32>
    tpu.vector_store %arg7[%swap3A_1218, %swap3A_1219], %swap3A_1222 {strides = array<i32>} : memref<2x1024xf32, #tpu.memory_space<vmem>>, vector<1x16xf32>,
    %get3A_1223 = arith.constant 27 : i32
    %get3A_1224 = arith.index_cast %get3A_1223 : i32 to index
    %get3A_1225 = arith.constant 0 : index
    %get3A_1226 = tpu.vector_load %arg6[%get3A_1224, %get3A_1225] {strides = array<i32>} : memref<32x128xf32, #tpu.memory_space<vmem>>, vector<1x16xf32>,
    %get3A_1227 = vector.shape_cast %get3A_1226 : vector<1x16xf32> to vector<16xf32>
    %swap3A_1228 = arith.constant 1 : i32
    %swap3A_1229 = arith.index_cast %swap3A_1228 : i32 to index
    %swap3A_1230 = arith.constant 704 : index
    %swap3A_1231 = tpu.vector_load %arg7[%swap3A_1229, %swap3A_1230] {strides = array<i32>} : memref<2x1024xf32, #tpu.memory_space<vmem>>, vector<1x16xf32>,
    %swap3A_1232 = vector.shape_cast %swap3A_1231 : vector<1x16xf32> to vector<16xf32>
    %swap3A_1233 = vector.shape_cast %get3A_1227 : vector<16xf32> to vector<1x16xf32>
    tpu.vector_store %arg7[%swap3A_1229, %swap3A_1230], %swap3A_1233 {strides = array<i32>} : memref<2x1024xf32, #tpu.memory_space<vmem>>, vector<1x16xf32>,
    %get3A_1234 = arith.constant 27 : i32
    %get3A_1235 = arith.index_cast %get3A_1234 : i32 to index
    %get3A_1236 = arith.constant 16 : index
    %get3A_1237 = tpu.vector_load %arg6[%get3A_1235, %get3A_1236] {strides = array<i32>} : memref<32x128xf32, #tpu.memory_space<vmem>>, vector<1x16xf32>,
    %get3A_1238 = vector.shape_cast %get3A_1237 : vector<1x16xf32> to vector<16xf32>
    %swap3A_1239 = arith.constant 1 : i32
    %swap3A_1240 = arith.index_cast %swap3A_1239 : i32 to index
    %swap3A_1241 = arith.constant 720 : index
    %swap3A_1242 = tpu.vector_load %arg7[%swap3A_1240, %swap3A_1241] {strides = array<i32>} : memref<2x1024xf32, #tpu.memory_space<vmem>>, vector<1x16xf32>,
    %swap3A_1243 = vector.shape_cast %swap3A_1242 : vector<1x16xf32> to vector<16xf32>
    %swap3A_1244 = vector.shape_cast %get3A_1238 : vector<16xf32> to vector<1x16xf32>
    tpu.vector_store %arg7[%swap3A_1240, %swap3A_1241], %swap3A_1244 {strides = array<i32>} : memref<2x1024xf32, #tpu.memory_space<vmem>>, vector<1x16xf32>,
    %get3A_1245 = arith.constant 27 : i32
    %get3A_1246 = arith.index_cast %get3A_1245 : i32 to index
    %get3A_1247 = arith.constant 32 : index
    %get3A_1248 = tpu.vector_load %arg6[%get3A_1246, %get3A_1247] {strides = array<i32>} : memref<32x128xf32, #tpu.memory_space<vmem>>, vector<1x16xf32>,
    %get3A_1249 = vector.shape_cast %get3A_1248 : vector<1x16xf32> to vector<16xf32>
    %swap3A_1250 = arith.constant 1 : i32
    %swap3A_1251 = arith.index_cast %swap3A_1250 : i32 to index
    %swap3A_1252 = arith.constant 736 : index
    %swap3A_1253 = tpu.vector_load %arg7[%swap3A_1251, %swap3A_1252] {strides = array<i32>} : memref<2x1024xf32, #tpu.memory_space<vmem>>, vector<1x16xf32>,
    %swap3A_1254 = vector.shape_cast %swap3A_1253 : vector<1x16xf32> to vector<16xf32>
    %swap3A_1255 = vector.shape_cast %get3A_1249 : vector<16xf32> to vector<1x16xf32>
    tpu.vector_store %arg7[%swap3A_1251, %swap3A_1252], %swap3A_1255 {strides = array<i32>} : memref<2x1024xf32, #tpu.memory_space<vmem>>, vector<1x16xf32>,
    %get3A_1256 = arith.constant 27 : i32
    %get3A_1257 = arith.index_cast %get3A_1256 : i32 to index
    %get3A_1258 = arith.constant 48 : index
    %get3A_1259 = tpu.vector_load %arg6[%get3A_1257, %get3A_1258] {strides = array<i32>} : memref<32x128xf32, #tpu.memory_space<vmem>>, vector<1x16xf32>,
    %get3A_1260 = vector.shape_cast %get3A_1259 : vector<1x16xf32> to vector<16xf32>
    %swap3A_1261 = arith.constant 1 : i32
    %swap3A_1262 = arith.index_cast %swap3A_1261 : i32 to index
    %swap3A_1263 = arith.constant 752 : index
    %swap3A_1264 = tpu.vector_load %arg7[%swap3A_1262, %swap3A_1263] {strides = array<i32>} : memref<2x1024xf32, #tpu.memory_space<vmem>>, vector<1x16xf32>,
    %swap3A_1265 = vector.shape_cast %swap3A_1264 : vector<1x16xf32> to vector<16xf32>
    %swap3A_1266 = vector.shape_cast %get3A_1260 : vector<16xf32> to vector<1x16xf32>
    tpu.vector_store %arg7[%swap3A_1262, %swap3A_1263], %swap3A_1266 {strides = array<i32>} : memref<2x1024xf32, #tpu.memory_space<vmem>>, vector<1x16xf32>,
    %get3A_1267 = arith.constant 28 : i32
    %get3A_1268 = arith.index_cast %get3A_1267 : i32 to index
    %get3A_1269 = arith.constant 0 : index
    %get3A_1270 = tpu.vector_load %arg6[%get3A_1268, %get3A_1269] {strides = array<i32>} : memref<32x128xf32, #tpu.memory_space<vmem>>, vector<1x16xf32>,
    %get3A_1271 = vector.shape_cast %get3A_1270 : vector<1x16xf32> to vector<16xf32>
    %swap3A_1272 = arith.constant 1 : i32
    %swap3A_1273 = arith.index_cast %swap3A_1272 : i32 to index
    %swap3A_1274 = arith.constant 768 : index
    %swap3A_1275 = tpu.vector_load %arg7[%swap3A_1273, %swap3A_1274] {strides = array<i32>} : memref<2x1024xf32, #tpu.memory_space<vmem>>, vector<1x16xf32>,
    %swap3A_1276 = vector.shape_cast %swap3A_1275 : vector<1x16xf32> to vector<16xf32>
    %swap3A_1277 = vector.shape_cast %get3A_1271 : vector<16xf32> to vector<1x16xf32>
    tpu.vector_store %arg7[%swap3A_1273, %swap3A_1274], %swap3A_1277 {strides = array<i32>} : memref<2x1024xf32, #tpu.memory_space<vmem>>, vector<1x16xf32>,
    %get3A_1278 = arith.constant 28 : i32
    %get3A_1279 = arith.index_cast %get3A_1278 : i32 to index
    %get3A_1280 = arith.constant 16 : index
    %get3A_1281 = tpu.vector_load %arg6[%get3A_1279, %get3A_1280] {strides = array<i32>} : memref<32x128xf32, #tpu.memory_space<vmem>>, vector<1x16xf32>,
    %get3A_1282 = vector.shape_cast %get3A_1281 : vector<1x16xf32> to vector<16xf32>
    %swap3A_1283 = arith.constant 1 : i32
    %swap3A_1284 = arith.index_cast %swap3A_1283 : i32 to index
    %swap3A_1285 = arith.constant 784 : index
    %swap3A_1286 = tpu.vector_load %arg7[%swap3A_1284, %swap3A_1285] {strides = array<i32>} : memref<2x1024xf32, #tpu.memory_space<vmem>>, vector<1x16xf32>,
    %swap3A_1287 = vector.shape_cast %swap3A_1286 : vector<1x16xf32> to vector<16xf32>
    %swap3A_1288 = vector.shape_cast %get3A_1282 : vector<16xf32> to vector<1x16xf32>
    tpu.vector_store %arg7[%swap3A_1284, %swap3A_1285], %swap3A_1288 {strides = array<i32>} : memref<2x1024xf32, #tpu.memory_space<vmem>>, vector<1x16xf32>,
    %get3A_1289 = arith.constant 28 : i32
    %get3A_1290 = arith.index_cast %get3A_1289 : i32 to index
    %get3A_1291 = arith.constant 32 : index
    %get3A_1292 = tpu.vector_load %arg6[%get3A_1290, %get3A_1291] {strides = array<i32>} : memref<32x128xf32, #tpu.memory_space<vmem>>, vector<1x16xf32>,
    %get3A_1293 = vector.shape_cast %get3A_1292 : vector<1x16xf32> to vector<16xf32>
    %swap3A_1294 = arith.constant 1 : i32
    %swap3A_1295 = arith.index_cast %swap3A_1294 : i32 to index
    %swap3A_1296 = arith.constant 800 : index
    %swap3A_1297 = tpu.vector_load %arg7[%swap3A_1295, %swap3A_1296] {strides = array<i32>} : memref<2x1024xf32, #tpu.memory_space<vmem>>, vector<1x16xf32>,
    %swap3A_1298 = vector.shape_cast %swap3A_1297 : vector<1x16xf32> to vector<16xf32>
    %swap3A_1299 = vector.shape_cast %get3A_1293 : vector<16xf32> to vector<1x16xf32>
    tpu.vector_store %arg7[%swap3A_1295, %swap3A_1296], %swap3A_1299 {strides = array<i32>} : memref<2x1024xf32, #tpu.memory_space<vmem>>, vector<1x16xf32>,
    %get3A_1300 = arith.constant 28 : i32
    %get3A_1301 = arith.index_cast %get3A_1300 : i32 to index
    %get3A_1302 = arith.constant 48 : index
    %get3A_1303 = tpu.vector_load %arg6[%get3A_1301, %get3A_1302] {strides = array<i32>} : memref<32x128xf32, #tpu.memory_space<vmem>>, vector<1x16xf32>,
    %get3A_1304 = vector.shape_cast %get3A_1303 : vector<1x16xf32> to vector<16xf32>
    %swap3A_1305 = arith.constant 1 : i32
    %swap3A_1306 = arith.index_cast %swap3A_1305 : i32 to index
    %swap3A_1307 = arith.constant 816 : index
    %swap3A_1308 = tpu.vector_load %arg7[%swap3A_1306, %swap3A_1307] {strides = array<i32>} : memref<2x1024xf32, #tpu.memory_space<vmem>>, vector<1x16xf32>,
    %swap3A_1309 = vector.shape_cast %swap3A_1308 : vector<1x16xf32> to vector<16xf32>
    %swap3A_1310 = vector.shape_cast %get3A_1304 : vector<16xf32> to vector<1x16xf32>
    tpu.vector_store %arg7[%swap3A_1306, %swap3A_1307], %swap3A_1310 {strides = array<i32>} : memref<2x1024xf32, #tpu.memory_space<vmem>>, vector<1x16xf32>,
    %get3A_1311 = arith.constant 29 : i32
    %get3A_1312 = arith.index_cast %get3A_1311 : i32 to index
    %get3A_1313 = arith.constant 0 : index
    %get3A_1314 = tpu.vector_load %arg6[%get3A_1312, %get3A_1313] {strides = array<i32>} : memref<32x128xf32, #tpu.memory_space<vmem>>, vector<1x16xf32>,
    %get3A_1315 = vector.shape_cast %get3A_1314 : vector<1x16xf32> to vector<16xf32>
    %swap3A_1316 = arith.constant 1 : i32
    %swap3A_1317 = arith.index_cast %swap3A_1316 : i32 to index
    %swap3A_1318 = arith.constant 832 : index
    %swap3A_1319 = tpu.vector_load %arg7[%swap3A_1317, %swap3A_1318] {strides = array<i32>} : memref<2x1024xf32, #tpu.memory_space<vmem>>, vector<1x16xf32>,
    %swap3A_1320 = vector.shape_cast %swap3A_1319 : vector<1x16xf32> to vector<16xf32>
    %swap3A_1321 = vector.shape_cast %get3A_1315 : vector<16xf32> to vector<1x16xf32>
    tpu.vector_store %arg7[%swap3A_1317, %swap3A_1318], %swap3A_1321 {strides = array<i32>} : memref<2x1024xf32, #tpu.memory_space<vmem>>, vector<1x16xf32>,
    %get3A_1322 = arith.constant 29 : i32
    %get3A_1323 = arith.index_cast %get3A_1322 : i32 to index
    %get3A_1324 = arith.constant 16 : index
    %get3A_1325 = tpu.vector_load %arg6[%get3A_1323, %get3A_1324] {strides = array<i32>} : memref<32x128xf32, #tpu.memory_space<vmem>>, vector<1x16xf32>,
    %get3A_1326 = vector.shape_cast %get3A_1325 : vector<1x16xf32> to vector<16xf32>
    %swap3A_1327 = arith.constant 1 : i32
    %swap3A_1328 = arith.index_cast %swap3A_1327 : i32 to index
    %swap3A_1329 = arith.constant 848 : index
    %swap3A_1330 = tpu.vector_load %arg7[%swap3A_1328, %swap3A_1329] {strides = array<i32>} : memref<2x1024xf32, #tpu.memory_space<vmem>>, vector<1x16xf32>,
    %swap3A_1331 = vector.shape_cast %swap3A_1330 : vector<1x16xf32> to vector<16xf32>
    %swap3A_1332 = vector.shape_cast %get3A_1326 : vector<16xf32> to vector<1x16xf32>
    tpu.vector_store %arg7[%swap3A_1328, %swap3A_1329], %swap3A_1332 {strides = array<i32>} : memref<2x1024xf32, #tpu.memory_space<vmem>>, vector<1x16xf32>,
    %get3A_1333 = arith.constant 29 : i32
    %get3A_1334 = arith.index_cast %get3A_1333 : i32 to index
    %get3A_1335 = arith.constant 32 : index
    %get3A_1336 = tpu.vector_load %arg6[%get3A_1334, %get3A_1335] {strides = array<i32>} : memref<32x128xf32, #tpu.memory_space<vmem>>, vector<1x16xf32>,
    %get3A_1337 = vector.shape_cast %get3A_1336 : vector<1x16xf32> to vector<16xf32>
    %swap3A_1338 = arith.constant 1 : i32
    %swap3A_1339 = arith.index_cast %swap3A_1338 : i32 to index
    %swap3A_1340 = arith.constant 864 : index
    %swap3A_1341 = tpu.vector_load %arg7[%swap3A_1339, %swap3A_1340] {strides = array<i32>} : memref<2x1024xf32, #tpu.memory_space<vmem>>, vector<1x16xf32>,
    %swap3A_1342 = vector.shape_cast %swap3A_1341 : vector<1x16xf32> to vector<16xf32>
    %swap3A_1343 = vector.shape_cast %get3A_1337 : vector<16xf32> to vector<1x16xf32>
    tpu.vector_store %arg7[%swap3A_1339, %swap3A_1340], %swap3A_1343 {strides = array<i32>} : memref<2x1024xf32, #tpu.memory_space<vmem>>, vector<1x16xf32>,
    %get3A_1344 = arith.constant 29 : i32
    %get3A_1345 = arith.index_cast %get3A_1344 : i32 to index
    %get3A_1346 = arith.constant 48 : index
    %get3A_1347 = tpu.vector_load %arg6[%get3A_1345, %get3A_1346] {strides = array<i32>} : memref<32x128xf32, #tpu.memory_space<vmem>>, vector<1x16xf32>,
    %get3A_1348 = vector.shape_cast %get3A_1347 : vector<1x16xf32> to vector<16xf32>
    %swap3A_1349 = arith.constant 1 : i32
    %swap3A_1350 = arith.index_cast %swap3A_1349 : i32 to index
    %swap3A_1351 = arith.constant 880 : index
    %swap3A_1352 = tpu.vector_load %arg7[%swap3A_1350, %swap3A_1351] {strides = array<i32>} : memref<2x1024xf32, #tpu.memory_space<vmem>>, vector<1x16xf32>,
    %swap3A_1353 = vector.shape_cast %swap3A_1352 : vector<1x16xf32> to vector<16xf32>
    %swap3A_1354 = vector.shape_cast %get3A_1348 : vector<16xf32> to vector<1x16xf32>
    tpu.vector_store %arg7[%swap3A_1350, %swap3A_1351], %swap3A_1354 {strides = array<i32>} : memref<2x1024xf32, #tpu.memory_space<vmem>>, vector<1x16xf32>,
    %get3A_1355 = arith.constant 30 : i32
    %get3A_1356 = arith.index_cast %get3A_1355 : i32 to index
    %get3A_1357 = arith.constant 0 : index
    %get3A_1358 = tpu.vector_load %arg6[%get3A_1356, %get3A_1357] {strides = array<i32>} : memref<32x128xf32, #tpu.memory_space<vmem>>, vector<1x16xf32>,
    %get3A_1359 = vector.shape_cast %get3A_1358 : vector<1x16xf32> to vector<16xf32>
    %swap3A_1360 = arith.constant 1 : i32
    %swap3A_1361 = arith.index_cast %swap3A_1360 : i32 to index
    %swap3A_1362 = arith.constant 896 : index
    %swap3A_1363 = tpu.vector_load %arg7[%swap3A_1361, %swap3A_1362] {strides = array<i32>} : memref<2x1024xf32, #tpu.memory_space<vmem>>, vector<1x16xf32>,
    %swap3A_1364 = vector.shape_cast %swap3A_1363 : vector<1x16xf32> to vector<16xf32>
    %swap3A_1365 = vector.shape_cast %get3A_1359 : vector<16xf32> to vector<1x16xf32>
    tpu.vector_store %arg7[%swap3A_1361, %swap3A_1362], %swap3A_1365 {strides = array<i32>} : memref<2x1024xf32, #tpu.memory_space<vmem>>, vector<1x16xf32>,
    %get3A_1366 = arith.constant 30 : i32
    %get3A_1367 = arith.index_cast %get3A_1366 : i32 to index
    %get3A_1368 = arith.constant 16 : index
    %get3A_1369 = tpu.vector_load %arg6[%get3A_1367, %get3A_1368] {strides = array<i32>} : memref<32x128xf32, #tpu.memory_space<vmem>>, vector<1x16xf32>,
    %get3A_1370 = vector.shape_cast %get3A_1369 : vector<1x16xf32> to vector<16xf32>
    %swap3A_1371 = arith.constant 1 : i32
    %swap3A_1372 = arith.index_cast %swap3A_1371 : i32 to index
    %swap3A_1373 = arith.constant 912 : index
    %swap3A_1374 = tpu.vector_load %arg7[%swap3A_1372, %swap3A_1373] {strides = array<i32>} : memref<2x1024xf32, #tpu.memory_space<vmem>>, vector<1x16xf32>,
    %swap3A_1375 = vector.shape_cast %swap3A_1374 : vector<1x16xf32> to vector<16xf32>
    %swap3A_1376 = vector.shape_cast %get3A_1370 : vector<16xf32> to vector<1x16xf32>
    tpu.vector_store %arg7[%swap3A_1372, %swap3A_1373], %swap3A_1376 {strides = array<i32>} : memref<2x1024xf32, #tpu.memory_space<vmem>>, vector<1x16xf32>,
    %get3A_1377 = arith.constant 30 : i32
    %get3A_1378 = arith.index_cast %get3A_1377 : i32 to index
    %get3A_1379 = arith.constant 32 : index
    %get3A_1380 = tpu.vector_load %arg6[%get3A_1378, %get3A_1379] {strides = array<i32>} : memref<32x128xf32, #tpu.memory_space<vmem>>, vector<1x16xf32>,
    %get3A_1381 = vector.shape_cast %get3A_1380 : vector<1x16xf32> to vector<16xf32>
    %swap3A_1382 = arith.constant 1 : i32
    %swap3A_1383 = arith.index_cast %swap3A_1382 : i32 to index
    %swap3A_1384 = arith.constant 928 : index
    %swap3A_1385 = tpu.vector_load %arg7[%swap3A_1383, %swap3A_1384] {strides = array<i32>} : memref<2x1024xf32, #tpu.memory_space<vmem>>, vector<1x16xf32>,
    %swap3A_1386 = vector.shape_cast %swap3A_1385 : vector<1x16xf32> to vector<16xf32>
    %swap3A_1387 = vector.shape_cast %get3A_1381 : vector<16xf32> to vector<1x16xf32>
    tpu.vector_store %arg7[%swap3A_1383, %swap3A_1384], %swap3A_1387 {strides = array<i32>} : memref<2x1024xf32, #tpu.memory_space<vmem>>, vector<1x16xf32>,
    %get3A_1388 = arith.constant 30 : i32
    %get3A_1389 = arith.index_cast %get3A_1388 : i32 to index
    %get3A_1390 = arith.constant 48 : index
    %get3A_1391 = tpu.vector_load %arg6[%get3A_1389, %get3A_1390] {strides = array<i32>} : memref<32x128xf32, #tpu.memory_space<vmem>>, vector<1x16xf32>,
    %get3A_1392 = vector.shape_cast %get3A_1391 : vector<1x16xf32> to vector<16xf32>
    %swap3A_1393 = arith.constant 1 : i32
    %swap3A_1394 = arith.index_cast %swap3A_1393 : i32 to index
    %swap3A_1395 = arith.constant 944 : index
    %swap3A_1396 = tpu.vector_load %arg7[%swap3A_1394, %swap3A_1395] {strides = array<i32>} : memref<2x1024xf32, #tpu.memory_space<vmem>>, vector<1x16xf32>,
    %swap3A_1397 = vector.shape_cast %swap3A_1396 : vector<1x16xf32> to vector<16xf32>
    %swap3A_1398 = vector.shape_cast %get3A_1392 : vector<16xf32> to vector<1x16xf32>
    tpu.vector_store %arg7[%swap3A_1394, %swap3A_1395], %swap3A_1398 {strides = array<i32>} : memref<2x1024xf32, #tpu.memory_space<vmem>>, vector<1x16xf32>,
    %get3A_1399 = arith.constant 31 : i32
    %get3A_1400 = arith.index_cast %get3A_1399 : i32 to index
    %get3A_1401 = arith.constant 0 : index
    %get3A_1402 = tpu.vector_load %arg6[%get3A_1400, %get3A_1401] {strides = array<i32>} : memref<32x128xf32, #tpu.memory_space<vmem>>, vector<1x16xf32>,
    %get3A_1403 = vector.shape_cast %get3A_1402 : vector<1x16xf32> to vector<16xf32>
    %swap3A_1404 = arith.constant 1 : i32
    %swap3A_1405 = arith.index_cast %swap3A_1404 : i32 to index
    %swap3A_1406 = arith.constant 960 : index
    %swap3A_1407 = tpu.vector_load %arg7[%swap3A_1405, %swap3A_1406] {strides = array<i32>} : memref<2x1024xf32, #tpu.memory_space<vmem>>, vector<1x16xf32>,
    %swap3A_1408 = vector.shape_cast %swap3A_1407 : vector<1x16xf32> to vector<16xf32>
    %swap3A_1409 = vector.shape_cast %get3A_1403 : vector<16xf32> to vector<1x16xf32>
    tpu.vector_store %arg7[%swap3A_1405, %swap3A_1406], %swap3A_1409 {strides = array<i32>} : memref<2x1024xf32, #tpu.memory_space<vmem>>, vector<1x16xf32>,
    %get3A_1410 = arith.constant 31 : i32
    %get3A_1411 = arith.index_cast %get3A_1410 : i32 to index
    %get3A_1412 = arith.constant 16 : index
    %get3A_1413 = tpu.vector_load %arg6[%get3A_1411, %get3A_1412] {strides = array<i32>} : memref<32x128xf32, #tpu.memory_space<vmem>>, vector<1x16xf32>,
    %get3A_1414 = vector.shape_cast %get3A_1413 : vector<1x16xf32> to vector<16xf32>
    %swap3A_1415 = arith.constant 1 : i32
    %swap3A_1416 = arith.index_cast %swap3A_1415 : i32 to index
    %swap3A_1417 = arith.constant 976 : index
    %swap3A_1418 = tpu.vector_load %arg7[%swap3A_1416, %swap3A_1417] {strides = array<i32>} : memref<2x1024xf32, #tpu.memory_space<vmem>>, vector<1x16xf32>,
    %swap3A_1419 = vector.shape_cast %swap3A_1418 : vector<1x16xf32> to vector<16xf32>
    %swap3A_1420 = vector.shape_cast %get3A_1414 : vector<16xf32> to vector<1x16xf32>
    tpu.vector_store %arg7[%swap3A_1416, %swap3A_1417], %swap3A_1420 {strides = array<i32>} : memref<2x1024xf32, #tpu.memory_space<vmem>>, vector<1x16xf32>,
    %get3A_1421 = arith.constant 31 : i32
    %get3A_1422 = arith.index_cast %get3A_1421 : i32 to index
    %get3A_1423 = arith.constant 32 : index
    %get3A_1424 = tpu.vector_load %arg6[%get3A_1422, %get3A_1423] {strides = array<i32>} : memref<32x128xf32, #tpu.memory_space<vmem>>, vector<1x16xf32>,
    %get3A_1425 = vector.shape_cast %get3A_1424 : vector<1x16xf32> to vector<16xf32>
    %swap3A_1426 = arith.constant 1 : i32
    %swap3A_1427 = arith.index_cast %swap3A_1426 : i32 to index
    %swap3A_1428 = arith.constant 992 : index
    %swap3A_1429 = tpu.vector_load %arg7[%swap3A_1427, %swap3A_1428] {strides = array<i32>} : memref<2x1024xf32, #tpu.memory_space<vmem>>, vector<1x16xf32>,
    %swap3A_1430 = vector.shape_cast %swap3A_1429 : vector<1x16xf32> to vector<16xf32>
    %swap3A_1431 = vector.shape_cast %get3A_1425 : vector<16xf32> to vector<1x16xf32>
    tpu.vector_store %arg7[%swap3A_1427, %swap3A_1428], %swap3A_1431 {strides = array<i32>} : memref<2x1024xf32, #tpu.memory_space<vmem>>, vector<1x16xf32>,
    %get3A_1432 = arith.constant 31 : i32
    %get3A_1433 = arith.index_cast %get3A_1432 : i32 to index
    %get3A_1434 = arith.constant 48 : index
    %get3A_1435 = tpu.vector_load %arg6[%get3A_1433, %get3A_1434] {strides = array<i32>} : memref<32x128xf32, #tpu.memory_space<vmem>>, vector<1x16xf32>,
    %get3A_1436 = vector.shape_cast %get3A_1435 : vector<1x16xf32> to vector<16xf32>
    %swap3A_1437 = arith.constant 1 : i32
    %swap3A_1438 = arith.index_cast %swap3A_1437 : i32 to index
    %swap3A_1439 = arith.constant 1008 : index
    %swap3A_1440 = tpu.vector_load %arg7[%swap3A_1438, %swap3A_1439] {strides = array<i32>} : memref<2x1024xf32, #tpu.memory_space<vmem>>, vector<1x16xf32>,
    %swap3A_1441 = vector.shape_cast %swap3A_1440 : vector<1x16xf32> to vector<16xf32>
    %swap3A_1442 = vector.shape_cast %get3A_1436 : vector<16xf32> to vector<1x16xf32>
    tpu.vector_store %arg7[%swap3A_1438, %swap3A_1439], %swap3A_1442 {strides = array<i32>} : memref<2x1024xf32, #tpu.memory_space<vmem>>, vector<1x16xf32>,
    %mul3A_1443 = arith.constant 2 : i32
    %mul3A_1444 = arith.muli %add3A, %mul3A_1443 : i32
    "tpu.region"() ({
      %run_scoped3A_1445 = tpu.sem_alloc : memref<!tpu.dma_semaphore, #tpu.memory_space<semaphore_mem>>
      %dma_start3A_1446 = arith.constant 0 : i32
      %dma_start3A_1447 = tpu.memref_slice %arg4[%mul3A_1444, %dma_start3A_1446] : memref<64x1024xf32, #tpu.memory_space<hbm>> -> memref<2x1024xf32, #tpu.memory_space<hbm>>
      %dma_start3A_1448 = arith.constant 0 : i32
      %dma_start3A_1449 = tpu.memref_slice %arg4[%mul3A_1444, %dma_start3A_1448] : memref<64x1024xf32, #tpu.memory_space<hbm>> -> memref<2x1024xf32, #tpu.memory_space<hbm>>
      tpu.enqueue_dma source(%arg7 : memref<2x1024xf32, #tpu.memory_space<vmem>>) target(%dma_start3A_1449 : memref<2x1024xf32, #tpu.memory_space<hbm>>) target_semaphore(%run_scoped3A_1445 : memref<!tpu.dma_semaphore, #tpu.memory_space<semaphore_mem>>)
      %dma_wait3A_1450 = arith.constant 0 : i32
      %dma_wait3A_1451 = tpu.memref_slice %arg4[%mul3A_1444, %dma_wait3A_1450] : memref<64x1024xf32, #tpu.memory_space<hbm>> -> memref<2x1024xf32, #tpu.memory_space<hbm>>
      %dma_wait3A_1452 = arith.constant 0 : i32
      %dma_wait3A_1453 = tpu.memref_slice %arg4[%mul3A_1444, %dma_wait3A_1452] : memref<64x1024xf32, #tpu.memory_space<hbm>> -> memref<2x1024xf32, #tpu.memory_space<hbm>>
      tpu.wait_dma2 semaphore(%run_scoped3A_1445 : memref<!tpu.dma_semaphore, #tpu.memory_space<semaphore_mem>>) src(%arg7 : memref<2x1024xf32, #tpu.memory_space<vmem>>) dst(%dma_wait3A_1453 : memref<2x1024xf32, #tpu.memory_space<hbm>>)
      tpu.yield
    }) : () -> ()
    return
  }
}

module attributes {stable_mosaic.version = 14 : i64} {
  func.func @_vq_dense_body(%arg0: i32, %arg1: memref<1024x64xf32, #tpu.memory_space<vmem>>, %arg2: memref<1024x64xf32, #tpu.memory_space<vmem>>, %arg3: memref<1024x64xf32, #tpu.memory_space<vmem>>, %arg4: memref<1x1x1024xi32, #tpu.memory_space<vmem>>, %arg5: memref<1024x128xf32, #tpu.memory_space<vmem>>, %arg6: memref<1x1xf32, #tpu.memory_space<smem>>) attributes {dimension_semantics = [#tpu.dimension_semantics<arbitrary>], iteration_bounds = array<i64: 1>, scalar_prefetch = 0 : i64, scratch_operands = 0 : i64, tpu.core_type = #tpu.core_type<tc>, window_params = [{transform_indices = @transform_0, window_bounds = array<i64: 1024, 64>}, {pipeline_mode = #tpu.pipeline_mode<synchronous>, transform_indices = @transform_1, window_bounds = array<i64: 1024, 64>}, {transform_indices = @transform_2, window_bounds = array<i64: 1024, 64>}, {transform_indices = @transform_3, window_bounds = array<i64: 1, 1, 1024>}, {transform_indices = @transform_4, window_bounds = array<i64: 1024, 128>}, {transform_indices = @transform_5, window_bounds = array<i64: 1, 1>}]} {
    %get3A = arith.constant 0 : index
    %get3A_0 = arith.constant 0 : index
    %get3A_1 = vector.load %arg1[%get3A, %get3A_0] : memref<1024x64xf32, #tpu.memory_space<vmem>>, vector<1024x64xf32>
    %get3A_2 = arith.constant 0 : index
    %get3A_3 = arith.constant 0 : index
    %get3A_4 = vector.load %arg2[%get3A_2, %get3A_3] : memref<1024x64xf32, #tpu.memory_space<vmem>>, vector<1024x64xf32>
    %dot_general3A = arith.constant dense<0.000000e+00> : vector<1024x1024xf32>
    %dot_general3A_5 = tpu.matmul %get3A_1, %get3A_4, %dot_general3A {dimension_numbers = #tpu.dot_dimension_numbers<[1], [1], [0], [0], [0, 0, 1, 0], [], []>, precision = #tpu.contract_precision<fp32>, transpose_lhs_hint = false} : vector<1024x64xf32>, vector<1024x64xf32>, vector<1024x1024xf32> -> vector<1024x1024xf32>
    %broadcast_in_dim3A = arith.constant 1.000000e+00 : f32
    %broadcast_in_dim3A_6 = vector.broadcast %broadcast_in_dim3A : f32 to vector<8x64xf32>
    %mul3A = arith.mulf %get3A_4, %get3A_4 : vector<1024x64xf32>
    %dot_general3A_7 = arith.constant dense<0.000000e+00> : vector<8x1024xf32>
    %dot_general3A_8 = tpu.matmul %broadcast_in_dim3A_6, %mul3A, %dot_general3A_7 {dimension_numbers = #tpu.dot_dimension_numbers<[1], [1], [0], [0], [0, 0, 1, 0], [], []>, precision = #tpu.contract_precision<fp32>, transpose_lhs_hint = false} : vector<8x64xf32>, vector<1024x64xf32>, vector<8x1024xf32> -> vector<8x1024xf32>
    %slice3A = vector.extract_strided_slice %dot_general3A_8 {offsets = [0, 0], sizes = [1, 1024], strides = [1, 1]} : vector<8x1024xf32> to vector<1x1024xf32>
    %mul3A_9 = arith.constant 2.000000e+00 : f32
    %mul3A_10 = vector.broadcast %mul3A_9 : f32 to vector<1024x1024xf32>
    %mul3A_11 = arith.mulf %mul3A_10, %dot_general3A_5 : vector<1024x1024xf32>
    %sub3A = vector.broadcast %slice3A : vector<1x1024xf32> to vector<1024x1024xf32>
    %sub3A_12 = arith.subf %sub3A, %mul3A_11 : vector<1024x1024xf32>
    %iota3A = tpu.iota {dimensions = array<i32: 1>} : vector<1024x1024xi32>
    %reduce_min3A = arith.constant dense<0x7F800000> : vector<1024xf32>
    %reduce_min3A_13 = vector.multi_reduction <minimumf>, %sub3A_12, %reduce_min3A [1] : vector<1024x1024xf32> to vector<1024xf32>
    %broadcast_in_dim3A_14 = vector.shape_cast %reduce_min3A_13 : vector<1024xf32> to vector<1024x1xf32>
    %eq3A = vector.broadcast %broadcast_in_dim3A_14 : vector<1024x1xf32> to vector<1024x1024xf32>
    %eq3A_15 = arith.cmpf oeq, %sub3A_12, %eq3A : vector<1024x1024xf32>
    %jit3A = arith.constant 1024 : i32
    %broadcast_in_dim3A_16 = vector.broadcast %jit3A : i32 to vector<1024x1024xi32>
    %select_n3A = arith.select %eq3A_15, %iota3A, %broadcast_in_dim3A_16 : vector<1024x1024xi1>, vector<1024x1024xi32>
    %reduce_min3A_17 = arith.constant dense<2147483647> : vector<1024xi32>
    %reduce_min3A_18 = vector.multi_reduction <minsi>, %select_n3A, %reduce_min3A_17 [1] : vector<1024x1024xi32> to vector<1024xi32>
    %broadcast_in_dim3A_19 = vector.shape_cast %reduce_min3A_18 : vector<1024xi32> to vector<1024x1xi32>
    %eq3A_20 = vector.broadcast %broadcast_in_dim3A_19 : vector<1024x1xi32> to vector<1024x1024xi32>
    %eq3A_21 = arith.cmpi eq, %iota3A, %eq3A_20 : vector<1024x1024xi32>
    %jit3A_22 = arith.constant 0x7F800000 : f32
    %broadcast_in_dim3A_23 = vector.broadcast %jit3A_22 : f32 to vector<1024x1024xf32>
    %select_n3A_24 = arith.select %eq3A_21, %broadcast_in_dim3A_23, %sub3A_12 : vector<1024x1024xi1>, vector<1024x1024xf32>
    %reduce_min3A_25 = arith.constant dense<0x7F800000> : vector<1024xf32>
    %reduce_min3A_26 = vector.multi_reduction <minimumf>, %select_n3A_24, %reduce_min3A_25 [1] : vector<1024x1024xf32> to vector<1024xf32>
    %broadcast_in_dim3A_27 = vector.shape_cast %reduce_min3A_26 : vector<1024xf32> to vector<1024x1xf32>
    %eq3A_28 = vector.broadcast %broadcast_in_dim3A_27 : vector<1024x1xf32> to vector<1024x1024xf32>
    %eq3A_29 = arith.cmpf oeq, %select_n3A_24, %eq3A_28 : vector<1024x1024xf32>
    %jit3A_30 = arith.constant 1024 : i32
    %broadcast_in_dim3A_31 = vector.broadcast %jit3A_30 : i32 to vector<1024x1024xi32>
    %select_n3A_32 = arith.select %eq3A_29, %iota3A, %broadcast_in_dim3A_31 : vector<1024x1024xi1>, vector<1024x1024xi32>
    %reduce_min3A_33 = arith.constant dense<2147483647> : vector<1024xi32>
    %reduce_min3A_34 = vector.multi_reduction <minsi>, %select_n3A_32, %reduce_min3A_33 [1] : vector<1024x1024xi32> to vector<1024xi32>
    %broadcast_in_dim3A_35 = vector.shape_cast %reduce_min3A_34 : vector<1024xi32> to vector<1024x1xi32>
    %convert_element_type3A = arith.truncf %get3A_4 : vector<1024x64xf32> to vector<1024x64xbf16>
    %convert_element_type3A_36 = arith.extf %convert_element_type3A : vector<1024x64xbf16> to vector<1024x64xf32>
    %sub3A_37 = arith.subf %get3A_4, %convert_element_type3A_36 : vector<1024x64xf32>
    %convert_element_type3A_38 = arith.truncf %sub3A_37 : vector<1024x64xf32> to vector<1024x64xbf16>
    %convert_element_type3A_39 = arith.extf %convert_element_type3A_38 : vector<1024x64xbf16> to vector<1024x64xf32>
    %sub3A_40 = arith.subf %sub3A_37, %convert_element_type3A_39 : vector<1024x64xf32>
    %convert_element_type3A_41 = arith.truncf %sub3A_40 : vector<1024x64xf32> to vector<1024x64xbf16>
    %eq3A_42 = vector.broadcast %broadcast_in_dim3A_19 : vector<1024x1xi32> to vector<1024x1024xi32>
    %eq3A_43 = arith.cmpi eq, %iota3A, %eq3A_42 : vector<1024x1024xi32>
    %convert_element_type3A_44 = arith.extui %eq3A_43 : vector<1024x1024xi1> to vector<1024x1024xi32>
    %convert_element_type3A_45 = arith.sitofp %convert_element_type3A_44 : vector<1024x1024xi32> to vector<1024x1024xf32>
    %convert_element_type3A_46 = arith.truncf %convert_element_type3A_45 : vector<1024x1024xf32> to vector<1024x1024xbf16>
    %eq3A_47 = vector.broadcast %broadcast_in_dim3A_35 : vector<1024x1xi32> to vector<1024x1024xi32>
    %eq3A_48 = arith.cmpi eq, %iota3A, %eq3A_47 : vector<1024x1024xi32>
    %convert_element_type3A_49 = arith.extui %eq3A_48 : vector<1024x1024xi1> to vector<1024x1024xi32>
    %convert_element_type3A_50 = arith.sitofp %convert_element_type3A_49 : vector<1024x1024xi32> to vector<1024x1024xf32>
    %convert_element_type3A_51 = arith.truncf %convert_element_type3A_50 : vector<1024x1024xf32> to vector<1024x1024xbf16>
    %dot_general3A_52 = arith.constant dense<0.000000e+00> : vector<1024x64xf32>
    %dot_general3A_53 = tpu.matmul %convert_element_type3A_46, %convert_element_type3A, %dot_general3A_52 {dimension_numbers = #tpu.dot_dimension_numbers<[1], [0], [0], [1], [0, 0, 1, 1], [], []>, transpose_lhs_hint = false} : vector<1024x1024xbf16>, vector<1024x64xbf16>, vector<1024x64xf32> -> vector<1024x64xf32>
    %dot_general3A_54 = arith.constant dense<0.000000e+00> : vector<1024x64xf32>
    %dot_general3A_55 = tpu.matmul %convert_element_type3A_46, %convert_element_type3A_38, %dot_general3A_54 {dimension_numbers = #tpu.dot_dimension_numbers<[1], [0], [0], [1], [0, 0, 1, 1], [], []>, transpose_lhs_hint = false} : vector<1024x1024xbf16>, vector<1024x64xbf16>, vector<1024x64xf32> -> vector<1024x64xf32>
    %add3A = arith.addf %dot_general3A_53, %dot_general3A_55 : vector<1024x64xf32>
    %dot_general3A_56 = arith.constant dense<0.000000e+00> : vector<1024x64xf32>
    %dot_general3A_57 = tpu.matmul %convert_element_type3A_46, %convert_element_type3A_41, %dot_general3A_56 {dimension_numbers = #tpu.dot_dimension_numbers<[1], [0], [0], [1], [0, 0, 1, 1], [], []>, transpose_lhs_hint = false} : vector<1024x1024xbf16>, vector<1024x64xbf16>, vector<1024x64xf32> -> vector<1024x64xf32>
    %add3A_58 = arith.addf %add3A, %dot_general3A_57 : vector<1024x64xf32>
    %dot_general3A_59 = arith.constant dense<0.000000e+00> : vector<1024x64xf32>
    %dot_general3A_60 = tpu.matmul %convert_element_type3A_51, %convert_element_type3A, %dot_general3A_59 {dimension_numbers = #tpu.dot_dimension_numbers<[1], [0], [0], [1], [0, 0, 1, 1], [], []>, transpose_lhs_hint = false} : vector<1024x1024xbf16>, vector<1024x64xbf16>, vector<1024x64xf32> -> vector<1024x64xf32>
    %dot_general3A_61 = arith.constant dense<0.000000e+00> : vector<1024x64xf32>
    %dot_general3A_62 = tpu.matmul %convert_element_type3A_51, %convert_element_type3A_38, %dot_general3A_61 {dimension_numbers = #tpu.dot_dimension_numbers<[1], [0], [0], [1], [0, 0, 1, 1], [], []>, transpose_lhs_hint = false} : vector<1024x1024xbf16>, vector<1024x64xbf16>, vector<1024x64xf32> -> vector<1024x64xf32>
    %add3A_63 = arith.addf %dot_general3A_60, %dot_general3A_62 : vector<1024x64xf32>
    %dot_general3A_64 = arith.constant dense<0.000000e+00> : vector<1024x64xf32>
    %dot_general3A_65 = tpu.matmul %convert_element_type3A_51, %convert_element_type3A_41, %dot_general3A_64 {dimension_numbers = #tpu.dot_dimension_numbers<[1], [0], [0], [1], [0, 0, 1, 1], [], []>, transpose_lhs_hint = false} : vector<1024x1024xbf16>, vector<1024x64xbf16>, vector<1024x64xf32> -> vector<1024x64xf32>
    %add3A_66 = arith.addf %add3A_63, %dot_general3A_65 : vector<1024x64xf32>
    %sub3A_67 = arith.subf %get3A_1, %add3A_58 : vector<1024x64xf32>
    %integer_pow3A = arith.mulf %sub3A_67, %sub3A_67 : vector<1024x64xf32>
    %reduce_sum3A = arith.constant dense<0.000000e+00> : vector<1024xf32>
    %reduce_sum3A_68 = vector.multi_reduction <add>, %integer_pow3A, %reduce_sum3A [1] : vector<1024x64xf32> to vector<1024xf32>
    %broadcast_in_dim3A_69 = vector.shape_cast %reduce_sum3A_68 : vector<1024xf32> to vector<1024x1xf32>
    %sub3A_70 = arith.subf %get3A_1, %add3A_66 : vector<1024x64xf32>
    %integer_pow3A_71 = arith.mulf %sub3A_70, %sub3A_70 : vector<1024x64xf32>
    %reduce_sum3A_72 = arith.constant dense<0.000000e+00> : vector<1024xf32>
    %reduce_sum3A_73 = vector.multi_reduction <add>, %integer_pow3A_71, %reduce_sum3A_72 [1] : vector<1024x64xf32> to vector<1024xf32>
    %broadcast_in_dim3A_74 = vector.shape_cast %reduce_sum3A_73 : vector<1024xf32> to vector<1024x1xf32>
    %sqrt3A = math.sqrt %broadcast_in_dim3A_69 : vector<1024x1xf32>
    %sqrt3A_75 = math.sqrt %broadcast_in_dim3A_74 : vector<1024x1xf32>
    %lt3A = arith.cmpf olt, %sqrt3A_75, %sqrt3A : vector<1024x1xf32>
    %eq3A_76 = arith.cmpf oeq, %sqrt3A_75, %sqrt3A : vector<1024x1xf32>
    %lt3A_77 = arith.cmpi slt, %broadcast_in_dim3A_35, %broadcast_in_dim3A_19 : vector<1024x1xi32>
    %and3A = arith.andi %eq3A_76, %lt3A_77 : vector<1024x1xi1>
    %or3A = arith.ori %lt3A, %and3A : vector<1024x1xi1>
    %select_n3A_78 = arith.select %or3A, %broadcast_in_dim3A_35, %broadcast_in_dim3A_19 : vector<1024x1xi1>, vector<1024x1xi32>
    %reshape3A = vector.shape_cast %select_n3A_78 : vector<1024x1xi32> to vector<1x1x1024xi32>
    %swap3A = arith.constant 0 : index
    %swap3A_79 = arith.constant 0 : index
    %swap3A_80 = arith.constant 0 : index
    %swap3A_81 = vector.load %arg4[%swap3A, %swap3A_79, %swap3A_80] : memref<1x1x1024xi32, #tpu.memory_space<vmem>>, vector<1x1x1024xi32>
    tpu.vector_store %arg4[%swap3A, %swap3A_79, %swap3A_80], %reshape3A {strides = array<i32>} : memref<1x1x1024xi32, #tpu.memory_space<vmem>>, vector<1x1x1024xi32>,
    %get3A_82 = arith.constant 0 : index
    %get3A_83 = arith.constant 0 : index
    %get3A_84 = vector.load %arg3[%get3A_82, %get3A_83] : memref<1024x64xf32, #tpu.memory_space<vmem>>, vector<1024x64xf32>
    %concatenate3A = tpu.concatenate %get3A_84, %get3A_84 in 1 : vector<1024x64xf32>, vector<1024x64xf32> -> vector<1024x128xf32>
    %swap3A_85 = arith.constant 0 : index
    %swap3A_86 = arith.constant 0 : index
    %swap3A_87 = vector.load %arg5[%swap3A_85, %swap3A_86] : memref<1024x128xf32, #tpu.memory_space<vmem>>, vector<1024x128xf32>
    tpu.vector_store %arg5[%swap3A_85, %swap3A_86], %concatenate3A {strides = array<i32>} : memref<1024x128xf32, #tpu.memory_space<vmem>>, vector<1024x128xf32>,
    %select_n3A_88 = arith.select %or3A, %broadcast_in_dim3A_74, %broadcast_in_dim3A_69 : vector<1024x1xi1>, vector<1024x1xf32>
    %reduce_sum3A_89 = vector.shape_cast %select_n3A_88 : vector<1024x1xf32> to vector<1x1024x1xf32>
    %reduce_sum3A_90 = arith.constant dense<0.000000e+00> : vector<1xf32>
    %reduce_sum3A_91 = vector.multi_reduction <add>, %reduce_sum3A_89, %reduce_sum3A_90 [1, 2] : vector<1x1024x1xf32> to vector<1xf32>
    %reduce_sum3A_92 = vector.shape_cast %reduce_sum3A_91 : vector<1xf32> to vector<1x1x1xf32>
    %reduce_sum3A_93 = vector.extract %reduce_sum3A_92[0, 0, 0] : f32 from vector<1x1x1xf32>
    %mul3A_94 = arith.constant 1.250000e+00 : f32
    %mul3A_95 = arith.mulf %mul3A_94, %reduce_sum3A_93 : f32
    %div3A = arith.constant 6.553600e+04 : f32
    %div3A_96 = arith.divf %mul3A_95, %div3A : f32
    %eq3A_97 = arith.constant 0 : i32
    %eq3A_98 = arith.cmpi eq, %arg0, %eq3A_97 : i32
    %convert_element_type3A_99 = arith.extui %eq3A_98 : i1 to i32
    %cond3A = arith.constant 0 : i32
    %cond3A_100 = arith.cmpi ne, %convert_element_type3A_99, %cond3A : i32
    scf.if %cond3A_100 {
      %swap3A_108 = arith.constant 0.000000e+00 : f32
      %swap3A_109 = arith.constant 0 : index
      %swap3A_110 = arith.constant 0 : index
      %swap3A_111 = memref.load %arg6[%swap3A_109, %swap3A_110] : memref<1x1xf32, #tpu.memory_space<smem>>
      memref.store %swap3A_108, %arg6[%swap3A_109, %swap3A_110] : memref<1x1xf32, #tpu.memory_space<smem>>
    } else {
    }
    %get3A_101 = arith.constant 0 : index
    %get3A_102 = arith.constant 0 : index
    %get3A_103 = memref.load %arg6[%get3A_101, %get3A_102] : memref<1x1xf32, #tpu.memory_space<smem>>
    %add3A_104 = arith.addf %get3A_103, %div3A_96 : f32
    %swap3A_105 = arith.constant 0 : index
    %swap3A_106 = arith.constant 0 : index
    %swap3A_107 = memref.load %arg6[%swap3A_105, %swap3A_106] : memref<1x1xf32, #tpu.memory_space<smem>>
    memref.store %add3A_104, %arg6[%swap3A_105, %swap3A_106] : memref<1x1xf32, #tpu.memory_space<smem>>
    return
  }
  func.func @transform_0(%arg0: i32) -> (i32, i32) {
    %c0_i32 = arith.constant 0 : i32
    %c0_i32_0 = arith.constant 0 : i32
    return %arg0, %c0_i32 : i32, i32
  }
  func.func @transform_1(%arg0: i32) -> (i32, i32) {
    %c0_i32 = arith.constant 0 : i32
    %c0_i32_0 = arith.constant 0 : i32
    %c0_i32_1 = arith.constant 0 : i32
    return %c0_i32, %c0_i32_0 : i32, i32
  }
  func.func @transform_2(%arg0: i32) -> (i32, i32) {
    %c0_i32 = arith.constant 0 : i32
    %c0_i32_0 = arith.constant 0 : i32
    return %arg0, %c0_i32 : i32, i32
  }
  func.func @transform_3(%arg0: i32) -> (i32, i32, i32) {
    %c0_i32 = arith.constant 0 : i32
    %c0_i32_0 = arith.constant 0 : i32
    %c0_i32_1 = arith.constant 0 : i32
    return %arg0, %c0_i32, %c0_i32_0 : i32, i32, i32
  }
  func.func @transform_4(%arg0: i32) -> (i32, i32) {
    %c0_i32 = arith.constant 0 : i32
    %c0_i32_0 = arith.constant 0 : i32
    return %arg0, %c0_i32 : i32, i32
  }
  func.func @transform_5(%arg0: i32) -> (i32, i32) {
    %c0_i32 = arith.constant 0 : i32
    %c0_i32_0 = arith.constant 0 : i32
    %c0_i32_1 = arith.constant 0 : i32
    return %c0_i32, %c0_i32_0 : i32, i32
  }
}

</mosaic_0001>

<sc_bundles>
// kernel: kernel.4.cloned.1.call-start
scs
__scs_entry_jumppad:
0x0: {  	(pc) =	sbr.rel $0x88, $3  }
0x1: {  	(tag) =	ssettag $0x0;
	lr =	simm.s32 $0x1  }
0x2: {  	[smem:$0x3F9F] =	sst lr;
	_ =	strace $0xD0000000  }
0x3: {  	_ = 	snop  }
0x4: {  	_ = 	snop  }
0x5: {  	_ = 	snop  }
0x6: {  	_ = 	snop  }
0x7: {  	_ = 	snop  }
__scs_overlays_trampoline_lowered:
0x8: {  	[smem:$0x3FAE] =	sst s0  }
0x9: {  	[smem:$0x3FAF] =	sst s1  }
0xa: {  	[smem:$0x3FB0] =	sst s2  }
0xb: {  	[smem:$0x3FB1] =	sst s3  }
0xc: {  	[smem:$0x3FB2] =	sst s4  }
0xd: {  	[smem:$0x3FB3] =	sst s5  }
0xe: {  	[smem:$0x3FB4] =	sst s6  }
0xf: {  	[smem:$0x3FB5] =	sst s7  }
0x10: {  	[smem:$0x3FB6] =	sst s8  }
0x11: {  	[smem:$0x3FB7] =	sst s9;
	s0 =	simm.s32 @!p0 $0x0  }
0x12: {  	s1 =	sld [smem:$0x3F9D];
	s0 =	simm.s32 @p0 $0x1  }
0x13: {  	[smem:$0x3FB8] =	sst s0;
	s0 =	simm.s32 @!p1 $0x0  }
0x14: {  	s2 =	sld [smem:$0x3F9C];
	s0 =	simm.s32 @p1 $0x1  }
0x15: {  	[smem:$0x3FB9] =	sst s0;
	s0 =	simm.s32 @!p2 $0x0  }
0x16: {  	s3 =	sld [smem:$0x3FDB];
	s0 =	simm.s32 @p2 $0x1  }
0x17: {  	s4 =	simm.s32 $0x1BF5;
	[smem:$0x3FBB] =	sst s0  }
0x18: {  	s0 =	sld [smem:$0x3F9E];
	_ =	swait.ge [sflag:s4], $0x0  }
0x19: {  	s7 =	sld [smem:$0x3F9F]  }
0x1a: {  	s8 =	sadd.s32 $0xFFFFE003, lr  }
0x1b: {  	s9 =	sadd.s32 $0xFFFFFEF7, lr;
	s5 =	simm.s32 $0xFFFFFFFF;
	p2 =	slt.u32 s8, $0xFFFFF086  }
0x1c: {  	p1 =	slt.u32 s9, $0xF7A;
	s5 =	simm.s32 @!p2 $0x0  }
0x1d: {  	s5 =	simm.s32 @p1 $0x1;
	p0 =	seq.s32 s7, s2  }
0x1e: {  	s7 =	smul.u32 @!p0 $0xF7A, s2;
	p2 =	seq.s32 @!p0 s5, $0x0  }
0x1f: {  	s9 =	smul.u32 $0xF7A, s1;
	s8 =	simm.s32 @!p0 $0x1BF5;
	p2 =	por !p2, p0  }
0x20: {  	[sflag:s8] =	ssyncset.s32 @!p0 $0xFFFFF086;
	s6 =	sadd.s32 @!p0 s3, s7;
	s7 =	simm.s32 @!p0 $0x108  }
0x21: {  	s3 =	sadd.s32 s3, s9;
	s6 =	sadd.s32 @!p0 $0x88, s6;
	s7 =	simm.s32 @p2 $0x1082  }
0x22: {  	[simem:s7], [sflag:s8] =	dma.local @!p0 [hbm:s6], $0xF7A  }
0x23: {  	s9 =	sor.u32 $0xD0000000, s2;
	s6 =	simm.s32 $0x108;
	_ =	swait.ge @!p0 [sflag:s8], $0x0  }
0x24: {  	s3 =	sadd.s32 $0x88, s3;
	s6 =	simm.s32 @!p1 $0x1082;
	[sflag:s4] =	ssyncset.s32 $0xFFFFF086  }
0x25: {  	[simem:s6], [sflag:s4] =	dma.local [hbm:s3], $0xF7A  }
0x26: {  	[smem:$0x3F9F] =	sst s1;
	(tag) =	ssettag s2;
	_ =	strace s9  }
0x27: {  	s1 =	sld [smem:$0x3FAF]  }
0x28: {  	s2 =	sld [smem:$0x3FB0]  }
0x29: {  	s4 =	sld [smem:$0x3FB2]  }
0x2a: {  	p0 =	seq.s32 s5, $0x0;
	s5 =	sld [smem:$0x3FB3]  }
0x2b: {  	s6 =	sld [smem:$0x3FB4]  }
0x2c: {  	s7 =	sld [smem:$0x3FB5]  }
0x2d: {  	s3 =	simm.s32 $0x108;
	s8 =	sld [smem:$0x3FB6]  }
0x2e: {  	s3 =	simm.s32 @!p0 $0x1082;
	s9 =	sld [smem:$0x3FB7]  }
0x2f: {  	lr =	sadd.s32 s0, s3;
	s0 =	sld [smem:$0x3FAE]  }
0x30: {  	s3 =	sld [smem:$0x3FB1]  }
0x31: {  	[smem:$0x3FBA] =	sst s10  }
0x32: {  	s10 =	sld [smem:$0x3FB8];
	_ =	sdelay $0x3  }
0x33: {  	p0 =	seq.s32 s10, $0x1;
	s10 =	sld [smem:$0x3FBA];
	_ =	sdelay $0x3  }
0x34: {  	[smem:$0x3FBA] =	sst s10  }
0x35: {  	s10 =	sld [smem:$0x3FB9];
	_ =	sdelay $0x3  }
0x36: {  	p1 =	seq.s32 s10, $0x1;
	s10 =	sld [smem:$0x3FBA];
	_ =	sdelay $0x3  }
0x37: {  	[smem:$0x3FBA] =	sst s10  }
0x38: {  	s10 =	sld [smem:$0x3FBB]  }
0x39: {  	_ = 	snop;
	(pc) =	sbr.ind lr, $3  }
0x3a: {  	_ = 	snop  }
0x3b: {  	_ = 	snop  }
0x3c: {  	p2 =	seq.s32 s10, $0x1;
	s10 =	sld [smem:$0x3FBA]  }
0x3d: {  	_ =	shalt  }
0x3e: {  	_ =	shalt  }
0x3f: {  	_ =	shalt  }
0x40: {  	_ =	shalt  }
0x41: {  	_ =	shalt  }
0x42: {  	_ =	shalt  }
0x43: {  	_ =	shalt  }
0x44: {  	_ =	shalt  }
0x45: {  	_ =	shalt  }
0x46: {  	_ =	shalt  }
0x47: {  	_ =	shalt  }
0x48: {  	_ =	shalt  }
0x49: {  	_ =	shalt  }
0x4a: {  	_ =	shalt  }
0x4b: {  	_ =	shalt  }
0x4c: {  	_ =	shalt  }
0x4d: {  	_ =	shalt  }
0x4e: {  	_ =	shalt  }
0x4f: {  	_ =	shalt  }
0x50: {  	_ =	shalt  }
0x51: {  	_ =	shalt  }
0x52: {  	_ =	shalt  }
0x53: {  	_ =	shalt  }
0x54: {  	_ =	shalt  }
0x55: {  	_ =	shalt  }
0x56: {  	_ =	shalt  }
0x57: {  	_ =	shalt  }
0x58: {  	_ =	shalt  }
0x59: {  	_ =	shalt  }
0x5a: {  	_ =	shalt  }
0x5b: {  	_ =	shalt  }
0x5c: {  	_ =	shalt  }
0x5d: {  	_ =	shalt  }
0x5e: {  	_ =	shalt  }
0x5f: {  	_ =	shalt  }
0x60: {  	_ =	shalt  }
0x61: {  	_ =	shalt  }
0x62: {  	_ =	shalt  }
0x63: {  	_ =	shalt  }
0x64: {  	_ =	shalt  }
0x65: {  	_ =	shalt  }
0x66: {  	_ =	shalt  }
0x67: {  	_ =	shalt  }
0x68: {  	_ =	shalt  }
0x69: {  	_ =	shalt  }
0x6a: {  	_ =	shalt  }
0x6b: {  	_ =	shalt  }
0x6c: {  	_ =	shalt  }
0x6d: {  	_ =	shalt  }
0x6e: {  	_ =	shalt  }
0x6f: {  	_ =	shalt  }
0x70: {  	_ =	shalt  }
0x71: {  	_ =	shalt  }
0x72: {  	_ =	shalt  }
0x73: {  	_ =	shalt  }
0x74: {  	_ =	shalt  }
0x75: {  	_ =	shalt  }
0x76: {  	_ =	shalt  }
0x77: {  	_ =	shalt  }
0x78: {  	_ =	shalt  }
0x79: {  	_ =	shalt  }
0x7a: {  	_ =	shalt  }
0x7b: {  	_ =	shalt  }
0x7c: {  	_ =	shalt  }
0x7d: {  	_ =	shalt  }
0x7e: {  	_ =	shalt  }
0x7f: {  	_ =	shalt  }
0x80: {  	_ =	shalt  }
0x81: {  	_ =	shalt  }
0x82: {  	_ =	shalt  }
0x83: {  	_ =	shalt  }
0x84: {  	_ =	shalt  }
0x85: {  	_ =	shalt  }
0x86: {  	_ =	shalt  }
0x87: {  	_ =	shalt  }
.Lfunc_end0:
.L_simem_size_0:
called_computation_lowered:
.L_overlay_start_0:
0x88: {  	s2 =	sld [smem:$0x3FD9]  }
0x89: {  	s3 =	sld [smem:$0x3FFE];
	_ =	sdelay $0x1  }
0x8a: {  	s1 =	srdreg.scid  }
0x8b: {  	s0 =	sand.u32 $0x1, s1  }
0x8c: {  	s14 =	sshll.u32 s0, $0xA;
	s2 =	sadd.s32 s3, s2  }
0x8d: {  	s2 =	sadd.s32 s2, s14  }
0x8e: {  	[smem:$0x3FC6] =	sst s2  }
0x8f: {  	_ = 	snop  }
0x90: {  	s2 =	sld [smem:$0x3FD0];
	_ =	sdelay $0x2  }
0x91: {  	s15 =	simm.s32 $0xA;
	s4 =	simm.s32 $0x10  }
0x92: {  	[smem:s4], [sflag:s15] =	dma.local [hbm:s2], $0x1  }
0x93: {  	_ =	swait.eq [sflag:s15], $0x1  }
0x94: {  	[sflag:s15] =	ssyncset.done $0x0  }
0x95: {  	[sflag:s15] =	ssyncadd.s32 $0xFFFFFFFF  }
0x96: {  	s16 =	sld [smem:$0x10];
	(tm) =	ssettm $0x1  }
0x97: {  	s17 =	sld [smem:$0x3FFB];
	_ =	sdelay $0x3  }
0x98: {  	_ =	strace s17  }
0x99: {  	s3 =	sld [smem:$0x3FFC];
	_ =	sdelay $0x3  }
0x9a: {  	_ =	strace s3  }
0x9b: {  	s3 =	sld [smem:$0x3FFD];
	_ =	sdelay $0x3  }
0x9c: {  	_ =	strace s3  }
0x9d: {  	_ =	strace $0x8FFFFFFF  }
0x9e: {  	s18 =	sld [smem:$0x3FDB];
	_ =	sdelay $0x1  }
0x9f: {  	s19 =	simm.s32 $_scs_section_size  }
0xa0: {  	s5 =	simm.s32 $_size__tile_overlayer_lowered;
	s6 =	simm.s32 $_tile_overlayer_lowered  }
0xa1: {  	s22 =	simm.s32 $0x1BFF;
	s21 =	sshll.u32 s6, $0x1;
	s3 =	sadd.s32 s19, s18  }
0xa2: {  	s7 =	simm.s32 $0x0;
	s20 =	sshll.u32 s5, $0x1;
	s5 =	sadd.s32 s21, s3  }
0xa3: {  	[timem:s7], [sflag:s22] =	dma.local [hbm:s5], s20  }
0xa4: {  	_ =	swait.ge [sflag:s22], s20  }
0xa5: {  	s4 =	ssub.s32 $0x0, s20;
	[sflag:s22] =	ssyncset.done $0x0  }
0xa6: {  	[sflag:s22] =	ssyncadd.s32 s4;
	_ =	sdelay $0x1  }
0xa7: {  	s23 =	simm.s32 $0x1B8B  }
0xa8: {  	_ =	swait.ge [sflag:s23], $0x1  }
0xa9: {  	[sflag:s23] =	ssyncset.done $0x0  }
0xaa: {  	s25 =	simm.s32 $0x1B8E;
	s24 =	sld [smem:$0x3FFE];
	[sflag:s23] =	ssyncadd.s32 $0xFFFFFFFF  }
0xab: {  	s26 =	simm.s32 $execute0_lowered;
	[smem:$0x3FD2] =	sst s25  }
0xac: {  	s5 =	sshll.u32 s26, $0x1;
	_ =	strace $0x80000046;
	[dreg:$0x1] =	wrdreg $0xFFFFFFFF  }
0xad: {  	s28 =	simm.s32 $_size_execute0_lowered;
	s3 =	sadd.s32 s3, s5;
	[dreg:$0x0] =	wrdreg $0x0  }
0xae: {  	s5 =	sshll.u32 s28, $0x1;
	[dreg:$0x2] =	wrdreg s3  }
0xaf: {  	[dreg:$0x3] =	wrdreg s5  }
0xb0: {  	[dreg:$0x4] =	wrdreg $0xC0  }
0xb1: {  	_ =	task [dreg:s7], $0x5FFFF  }
0xb2: {  	[dreg:$0x1] =	wrdreg $0xFFFFFFFF  }
0xb3: {  	[dreg:$0x0] =	wrdreg $0x60  }
0xb4: {  	[dreg:$0x2] =	wrdreg s24  }
0xb5: {  	[dreg:$0x3] =	wrdreg s16  }
0xb6: {  	[dreg:$0x4] =	wrdreg $0x9  }
0xb7: {  	_ =	task.clear_ibuf [dreg:s7], $0x5FFFF;
	_ =	strace $0x90000046  }
0xb8: {  	s29 =	simm.s32 $0x9;
	_ =	strace $0x80000048  }
0xb9: {  	_ =	swait.ge [sflag:s29], $0x1  }
0xba: {  	[sflag:s29] =	ssyncadd.s32 $0xFFFFFFFF  }
0xbb: {  	_ =	strace $0x90000048  }
0xbc: {  	_ =	sfence  }
0xbd: {  	s30 =	sld [smem:$0x0];
	_ =	sdelay $0x2  }
0xbe: {  	s31 =	sshll.u32 s1, $0xD;
	s1 =	sshrl.u32 s1, $0x2  }
0xbf: {  	s3 =	sand.u32 $0x4000, s31;
	s1 =	sadd.s32 s1, s30  }
0xc0: {  	s0 =	sor.u32 s3, s0;
	s1 =	sshll.u32 s1, $0x11  }
0xc1: {  	s0 =	sor.u32 s1, s0  }
0xc2: {  	s0 =	sadd.s32 $0x8F2B, s0  }
0xc3: {  	[sflag:s0] =	ssyncadd.remote.s32 $0x1  }
0xc4: {  	_ =	sfence.sel $0xFFFF  }
0xc5: {  	[dreg:$0x0] =	wrdreg $0xFFFFFFFF;
	(pc) =	sbr.abs _section_cstart, $3  }
0xc6: {  	[dreg:$0x1] =	wrdreg $0xFFFFFFFF  }
0xc7: {  	_ =	task.clear_ibuf [dreg:s7], $0x2FFFF;
	_ =	strace $0x9FFFFFFF  }
0xc8: {  	(tm) =	ssettm $0x7FFFFFFF  }
0xc9: {  	_ =	shalt  }
tec
execute0_lowered:
.L_overlay_start_1:
0x0: {  	(tag) =	ssettag $0x1  }
0x1: {  	s4 =	rddreg [dreg:$0x0]  }
0x2: {  	s5 =	rddreg [dreg:$0x1]  }
0x3: {  	s0 =	rddreg [dreg:$0x2];
	s2 =	simm.s32 $0x0;
	s3 =	srdreg.scid  }
0x4: {  	s1 =	stileid.u32;
	s10 =	simm.s32 $0x1;
	s11 =	simm.s32 $0x100  }
0x5: {  	s12 =	simm.s32 $0x400;
	s13 =	simm.s32 $0x1080;
	[smem:$0x7FF] =	sst s2  }
0x6: {  	s6 =	sand.u32 $0x1, s3;
	s29 =	sshll.u32 s1, $0x1;
	s3 =	sadd.s32 $0xC00, s4  }
0x7: {  	s9 =	sshll.u32 s1, $0x9;
	_ =	strace $0x80000047;
	s7 =	sor.u32 s6, s29  }
0x8: {  	s6 =	ssub.s32 $0x2, s6;
	s31 =	sand.u32 $0x1C00, s9;
	s9 =	simm.s32 $0x80  }
0x9: {  	s8 =	sshll.u32 s7, $0x2;
	s30 =	sshrl.u32 s6, $0x1;
	s7 =	sshll.u32 s7, $0x5  }
0xa: {  	s5 =	sadd.s32 s5, s31;
	s4 =	sadd.s32 s8, s4;
	s6 =	ssub.s32 s6, s30  }
0xb: {  	s7 =	sand.u32 $0x60, s7;
	s8 =	simm.s32 $0x20;
	s4 =	sadd.s32 $0x4C00, s4  }
0xc: {  	s5 =	sadd.s32 s7, s5;
	s6 =	smax.u32 s6, $0x1;
	s7 =	simm.s32 $0x2  }
.LBB2_1:
0xd: {  	[tilespmem:s2], [sflag:$0x2] =	stream.linear.gather [hbm4b:s4+s2], $0x20, $0x38;
	[tilespmem:$0x1880] =	vst v63  }
0xe: {  	_ =	swait.ge [sflag:s7], $0x20  }
0xf: {  	[sflag:s7] =	ssyncset.done $0x0  }
0x10: {  	[sflag:s7] =	ssyncadd.s32 $0xFFFFFFE0  }
0x11: {  	[tilespmem:s9], [sflag:$0x1] =	stream.indirect.gather [hbm4b:s3+s8], $0x80, s2, s8, $0xb8;
	[tilespmem:$0x1880] =	vst v63  }
0x12: {  	_ =	swait.ge [sflag:s10], $0x1000  }
0x13: {  	[sflag:s10] =	ssyncset.done $0x0  }
0x14: {  	[sflag:s10] =	ssyncadd.s32 $0xFFFFF000  }
0x15: {  	v0 =	vld [tilespmem:$0x80]  }
0x16: {  	v1 =	vld [tilespmem:$0x90]  }
0x17: {  	v2 =	vld [tilespmem:$0xA0]  }
0x18: {  	v3 =	vld [tilespmem:$0xB0]  }
0x19: {  	v4 =	vld [tilespmem:$0x100]  }
0x1a: {  	v53 =	vld [tilespmem:$0x110];
	[tilespmem:$0x1080] =	vst v0  }
0x1b: {  	v54 =	vld [tilespmem:$0x120];
	[tilespmem:$0x1090] =	vst v1  }
0x1c: {  	v55 =	vld [tilespmem:$0x130];
	[tilespmem:$0x10A0] =	vst v2  }
0x1d: {  	v56 =	vld [tilespmem:$0x180];
	[tilespmem:$0x10B0] =	vst v3  }
0x1e: {  	v57 =	vld [tilespmem:$0x190];
	[tilespmem:$0x10C0] =	vst v4  }
0x1f: {  	v58 =	vld [tilespmem:$0x1A0];
	[tilespmem:$0x10D0] =	vst v53  }
0x20: {  	v59 =	vld [tilespmem:$0x1B0];
	[tilespmem:$0x10E0] =	vst v54  }
0x21: {  	v60 =	vld [tilespmem:$0x200];
	[tilespmem:$0x10F0] =	vst v55  }
0x22: {  	v61 =	vld [tilespmem:$0x210];
	[tilespmem:$0x1180] =	vst v56  }
0x23: {  	v62 =	vld [tilespmem:$0x220];
	[tilespmem:$0x1190] =	vst v57  }
0x24: {  	v63 =	vld [tilespmem:$0x230];
	[tilespmem:$0x11A0] =	vst v58  }
0x25: {  	v8 =	vld [tilespmem:$0x280];
	[tilespmem:$0x11B0] =	vst v59  }
0x26: {  	v9 =	vld [tilespmem:$0x290];
	[tilespmem:$0x11C0] =	vst v60  }
0x27: {  	v10 =	vld [tilespmem:$0x2A0];
	[tilespmem:$0x11D0] =	vst v61  }
0x28: {  	v11 =	vld [tilespmem:$0x2B0];
	[tilespmem:$0x11E0] =	vst v62  }
0x29: {  	v12 =	vld [tilespmem:$0x300];
	[tilespmem:$0x11F0] =	vst v63  }
0x2a: {  	v13 =	vld [tilespmem:$0x310];
	[tilespmem:$0x1280] =	vst v8  }
0x2b: {  	v14 =	vld [tilespmem:$0x320];
	[tilespmem:$0x1290] =	vst v9  }
0x2c: {  	v15 =	vld [tilespmem:$0x330];
	[tilespmem:$0x12A0] =	vst v10  }
0x2d: {  	v16 =	vld [tilespmem:$0x380];
	[tilespmem:$0x12B0] =	vst v11  }
0x2e: {  	v17 =	vld [tilespmem:$0x390];
	[tilespmem:$0x12C0] =	vst v12  }
0x2f: {  	v18 =	vld [tilespmem:$0x3A0];
	[tilespmem:$0x12D0] =	vst v13  }
0x30: {  	v19 =	vld [tilespmem:$0x3B0];
	[tilespmem:$0x12E0] =	vst v14  }
0x31: {  	v20 =	vld [tilespmem:$0x400];
	[tilespmem:$0x12F0] =	vst v15  }
0x32: {  	v21 =	vld [tilespmem:$0x410];
	[tilespmem:$0x1380] =	vst v16  }
0x33: {  	v22 =	vld [tilespmem:$0x420];
	[tilespmem:$0x1390] =	vst v17  }
0x34: {  	v23 =	vld [tilespmem:$0x430];
	[tilespmem:$0x13A0] =	vst v18  }
0x35: {  	v24 =	vld [tilespmem:$0x480];
	[tilespmem:$0x13B0] =	vst v19  }
0x36: {  	v25 =	vld [tilespmem:$0x490];
	[tilespmem:$0x13C0] =	vst v20  }
0x37: {  	v26 =	vld [tilespmem:$0x4A0];
	[tilespmem:$0x13D0] =	vst v21  }
0x38: {  	v27 =	vld [tilespmem:$0x4B0];
	[tilespmem:$0x13E0] =	vst v22  }
0x39: {  	v28 =	vld [tilespmem:$0x500];
	[tilespmem:$0x13F0] =	vst v23  }
0x3a: {  	v29 =	vld [tilespmem:$0x510];
	[tilespmem:$0x1480] =	vst v24  }
0x3b: {  	v30 =	vld [tilespmem:$0x520];
	[tilespmem:$0x1490] =	vst v25  }
0x3c: {  	v31 =	vld [tilespmem:$0x530];
	[tilespmem:$0x14A0] =	vst v26  }
0x3d: {  	v32 =	vld [tilespmem:$0x580];
	[tilespmem:$0x14B0] =	vst v27  }
0x3e: {  	v33 =	vld [tilespmem:$0x590];
	[tilespmem:$0x14C0] =	vst v28  }
0x3f: {  	v34 =	vld [tilespmem:$0x5A0];
	[tilespmem:$0x14D0] =	vst v29  }
0x40: {  	v35 =	vld [tilespmem:$0x5B0];
	[tilespmem:$0x14E0] =	vst v30  }
0x41: {  	v36 =	vld [tilespmem:$0x600];
	[tilespmem:$0x14F0] =	vst v31  }
0x42: {  	v37 =	vld [tilespmem:$0x610];
	[tilespmem:$0x1580] =	vst v32  }
0x43: {  	v38 =	vld [tilespmem:$0x620];
	[tilespmem:$0x1590] =	vst v33  }
0x44: {  	v39 =	vld [tilespmem:$0x630];
	[tilespmem:$0x15A0] =	vst v34  }
0x45: {  	v40 =	vld [tilespmem:$0x680];
	[tilespmem:$0x15B0] =	vst v35  }
0x46: {  	v41 =	vld [tilespmem:$0x690];
	[tilespmem:$0x15C0] =	vst v36  }
0x47: {  	v42 =	vld [tilespmem:$0x6A0];
	[tilespmem:$0x15D0] =	vst v37  }
0x48: {  	v43 =	vld [tilespmem:$0x6B0];
	[tilespmem:$0x15E0] =	vst v38  }
0x49: {  	v44 =	vld [tilespmem:$0x700];
	[tilespmem:$0x15F0] =	vst v39  }
0x4a: {  	v45 =	vld [tilespmem:$0x710];
	[tilespmem:$0x1680] =	vst v40  }
0x4b: {  	v46 =	vld [tilespmem:$0x720];
	[tilespmem:$0x1690] =	vst v41  }
0x4c: {  	v47 =	vld [tilespmem:$0x730];
	[tilespmem:$0x16A0] =	vst v42  }
0x4d: {  	v48 =	vld [tilespmem:$0x780];
	[tilespmem:$0x16B0] =	vst v43  }
0x4e: {  	v49 =	vld [tilespmem:$0x790];
	[tilespmem:$0x16C0] =	vst v44  }
0x4f: {  	v50 =	vld [tilespmem:$0x7A0];
	[tilespmem:$0x16D0] =	vst v45  }
0x50: {  	v51 =	vld [tilespmem:$0x7B0];
	[tilespmem:$0x16E0] =	vst v46  }
0x51: {  	v52 =	vld [tilespmem:$0x800];
	[tilespmem:$0x16F0] =	vst v47  }
0x52: {  	[tilespmem:$0x1780] =	vst v48;
	v53 =	vld [tilespmem:$0x810]  }
0x53: {  	[tilespmem:$0x1790] =	vst v49;
	v54 =	vld [tilespmem:$0x820]  }
0x54: {  	[tilespmem:$0x17A0] =	vst v50;
	v55 =	vld [tilespmem:$0x830]  }
0x55: {  	[tilespmem:$0x17B0] =	vst v51;
	v56 =	vld [tilespmem:$0x880]  }
0x56: {  	[tilespmem:$0x17C0] =	vst v52;
	v57 =	vld [tilespmem:$0x890]  }
0x57: {  	v58 =	vld [tilespmem:$0x8A0];
	[tilespmem:$0x17D0] =	vst v53  }
0x58: {  	v59 =	vld [tilespmem:$0x8B0];
	[tilespmem:$0x17E0] =	vst v54  }
0x59: {  	v60 =	vld [tilespmem:$0x900];
	[tilespmem:$0x17F0] =	vst v55  }
0x5a: {  	v61 =	vld [tilespmem:$0x910];
	[tilespmem:$0x1100] =	vst v56  }
0x5b: {  	v62 =	vld [tilespmem:$0x920];
	[tilespmem:$0x1110] =	vst v57  }
0x5c: {  	v63 =	vld [tilespmem:$0x930];
	[tilespmem:$0x1120] =	vst v58  }
0x5d: {  	v8 =	vld [tilespmem:$0x980];
	[tilespmem:$0x1130] =	vst v59  }
0x5e: {  	v9 =	vld [tilespmem:$0x990];
	[tilespmem:$0x1140] =	vst v60  }
0x5f: {  	v10 =	vld [tilespmem:$0x9A0];
	[tilespmem:$0x1150] =	vst v61  }
0x60: {  	v11 =	vld [tilespmem:$0x9B0];
	[tilespmem:$0x1160] =	vst v62  }
0x61: {  	v12 =	vld [tilespmem:$0xA00];
	[tilespmem:$0x1170] =	vst v63  }
0x62: {  	v13 =	vld [tilespmem:$0xA10];
	[tilespmem:$0x1200] =	vst v8  }
0x63: {  	v14 =	vld [tilespmem:$0xA20];
	[tilespmem:$0x1210] =	vst v9  }
0x64: {  	v15 =	vld [tilespmem:$0xA30];
	[tilespmem:$0x1220] =	vst v10  }
0x65: {  	v16 =	vld [tilespmem:$0xA80];
	[tilespmem:$0x1230] =	vst v11  }
0x66: {  	v17 =	vld [tilespmem:$0xA90];
	[tilespmem:$0x1240] =	vst v12  }
0x67: {  	v18 =	vld [tilespmem:$0xAA0];
	[tilespmem:$0x1250] =	vst v13  }
0x68: {  	v19 =	vld [tilespmem:$0xAB0];
	[tilespmem:$0x1260] =	vst v14  }
0x69: {  	v20 =	vld [tilespmem:$0xB00];
	[tilespmem:$0x1270] =	vst v15  }
0x6a: {  	v21 =	vld [tilespmem:$0xB10];
	[tilespmem:$0x1300] =	vst v16  }
0x6b: {  	v22 =	vld [tilespmem:$0xB20];
	[tilespmem:$0x1310] =	vst v17  }
0x6c: {  	v23 =	vld [tilespmem:$0xB30];
	[tilespmem:$0x1320] =	vst v18  }
0x6d: {  	v24 =	vld [tilespmem:$0xB80];
	[tilespmem:$0x1330] =	vst v19  }
0x6e: {  	v25 =	vld [tilespmem:$0xB90];
	[tilespmem:$0x1340] =	vst v20  }
0x6f: {  	v26 =	vld [tilespmem:$0xBA0];
	[tilespmem:$0x1350] =	vst v21  }
0x70: {  	v27 =	vld [tilespmem:$0xBB0];
	[tilespmem:$0x1360] =	vst v22  }
0x71: {  	v28 =	vld [tilespmem:$0xC00];
	[tilespmem:$0x1370] =	vst v23  }
0x72: {  	v29 =	vld [tilespmem:$0xC10];
	[tilespmem:$0x1400] =	vst v24  }
0x73: {  	v30 =	vld [tilespmem:$0xC20];
	[tilespmem:$0x1410] =	vst v25  }
0x74: {  	v31 =	vld [tilespmem:$0xC30];
	[tilespmem:$0x1420] =	vst v26  }
0x75: {  	v32 =	vld [tilespmem:$0xC80];
	[tilespmem:$0x1430] =	vst v27  }
0x76: {  	v33 =	vld [tilespmem:$0xC90];
	[tilespmem:$0x1440] =	vst v28  }
0x77: {  	v34 =	vld [tilespmem:$0xCA0];
	[tilespmem:$0x1450] =	vst v29  }
0x78: {  	v35 =	vld [tilespmem:$0xCB0];
	[tilespmem:$0x1460] =	vst v30  }
0x79: {  	v36 =	vld [tilespmem:$0xD00];
	[tilespmem:$0x1470] =	vst v31  }
0x7a: {  	v37 =	vld [tilespmem:$0xD10];
	[tilespmem:$0x1500] =	vst v32  }
0x7b: {  	v38 =	vld [tilespmem:$0xD20];
	[tilespmem:$0x1510] =	vst v33  }
0x7c: {  	v39 =	vld [tilespmem:$0xD30];
	[tilespmem:$0x1520] =	vst v34  }
0x7d: {  	v40 =	vld [tilespmem:$0xD80];
	[tilespmem:$0x1530] =	vst v35  }
0x7e: {  	v41 =	vld [tilespmem:$0xD90];
	[tilespmem:$0x1540] =	vst v36  }
0x7f: {  	v42 =	vld [tilespmem:$0xDA0];
	[tilespmem:$0x1550] =	vst v37  }
0x80: {  	v43 =	vld [tilespmem:$0xDB0];
	[tilespmem:$0x1560] =	vst v38  }
0x81: {  	v44 =	vld [tilespmem:$0xE00];
	[tilespmem:$0x1570] =	vst v39  }
0x82: {  	v45 =	vld [tilespmem:$0xE10];
	[tilespmem:$0x1600] =	vst v40  }
0x83: {  	v46 =	vld [tilespmem:$0xE20];
	[tilespmem:$0x1610] =	vst v41  }
0x84: {  	v47 =	vld [tilespmem:$0xE30];
	[tilespmem:$0x1620] =	vst v42  }
0x85: {  	v48 =	vld [tilespmem:$0xE80];
	[tilespmem:$0x1630] =	vst v43  }
0x86: {  	v49 =	vld [tilespmem:$0xE90];
	[tilespmem:$0x1640] =	vst v44  }
0x87: {  	v50 =	vld [tilespmem:$0xEA0];
	[tilespmem:$0x1650] =	vst v45  }
0x88: {  	v51 =	vld [tilespmem:$0xEB0];
	[tilespmem:$0x1660] =	vst v46  }
0x89: {  	v52 =	vld [tilespmem:$0xF00];
	[tilespmem:$0x1670] =	vst v47  }
0x8a: {  	[tilespmem:$0x1700] =	vst v48;
	v53 =	vld [tilespmem:$0xF10]  }
0x8b: {  	[tilespmem:$0x1710] =	vst v49;
	v54 =	vld [tilespmem:$0xF20]  }
0x8c: {  	[tilespmem:$0x1720] =	vst v50;
	v55 =	vld [tilespmem:$0xF30]  }
0x8d: {  	[tilespmem:$0x1730] =	vst v51;
	v56 =	vld [tilespmem:$0xF80]  }
0x8e: {  	[tilespmem:$0x1740] =	vst v52;
	v57 =	vld [tilespmem:$0xF90]  }
0x8f: {  	v58 =	vld [tilespmem:$0xFA0];
	[tilespmem:$0x1750] =	vst v53  }
0x90: {  	v59 =	vld [tilespmem:$0xFB0];
	[tilespmem:$0x1760] =	vst v54  }
0x91: {  	v60 =	vld [tilespmem:$0x1000];
	[tilespmem:$0x1770] =	vst v55  }
0x92: {  	v61 =	vld [tilespmem:$0x1010];
	[tilespmem:$0x1800] =	vst v56  }
0x93: {  	v62 =	vld [tilespmem:$0x1020];
	[tilespmem:$0x1810] =	vst v57  }
0x94: {  	v63 =	vld [tilespmem:$0x1030];
	[tilespmem:$0x1820] =	vst v58  }
0x95: {  	[tilespmem:$0x1830] =	vst v59  }
0x96: {  	[tilespmem:$0x1840] =	vst v60  }
0x97: {  	[tilespmem:$0x1850] =	vst v61  }
0x98: {  	p0 =	sne.s32 s6, $0x1;
	[tilespmem:$0x1860] =	vst v62  }
.Ltmp0:
0x99: {  	[tilespmem:$0x1870] =	vst v63;
	(pc) =	sbr.rel @p0 .LBB2_1-.Ltmp0, $4  }
0x9a: {  	[hbm4b:s5+s11] =	stream.strided.scatter [tilespmem:s13], [sflag:$0x2], $0x800, s12, s11, $0x38;
	[tilespmem:$0x1880] =	vst v63  }
0x9b: {  	_ =	swait.ge [sflag:s7], $0x800  }
0x9c: {  	[sflag:s7] =	ssyncset.done $0x0  }
0x9d: {  	s6 =	sadd.s32 $0xFFFFFFFF, s6;
	[sflag:s7] =	ssyncadd.s32 $0xFFFFF800  }
0x9e: {  	_ =	sfence.sel $0x180000  }
0x9f: {  	[bflag:$0x0] =	sbarrier.arrive $0xFFFF  }
0xa0: {  	p0 =	sne.s32 s1, $0x0;
	_ =	strace $0x90000047  }
0xa1: {  	s0 =	sadd.s32 @!p0 $0x100000, s0;
	[bflag:$0x2] =	sbarrier.arrive $0xFFFF  }
0xa2: {  	[sflag:s0] =	ssyncadd.tile.s32 @!p0 $0x1;
	_ =	shalt  }
.Lfunc_end2:
_tile_overlayer_lowered:
.L_overlay_start_2:
0xa3: {  	(tag) =	ssettag $0x2  }
0xa4: {  	s0 =	rddreg [dreg:$0x0];
	s2 =	stileid.u32  }
0xa5: {  	s1 =	rddreg [dreg:$0x1];
	p0 =	sne.s32 s2, $0x0  }
0xa6: {  	s3 =	rddreg [dreg:$0x2];
	[bflag:$0x3] =	sbarrier.arrive $0xFFFF;
	s2 =	simm.s32 @!p0 $0x1C02  }
0xa7: {  	[timem:s3], [sflag:s2] =	dma.local @!p0 [hbm:s0], s1  }
0xa8: {  	s0 =	simm.s32 @!p0 $0x2  }
0xa9: {  	_ =	swait.ge @!p0 [sflag:s0], s1  }
0xaa: {  	s1 =	ssub.s32 @!p0 $0x0, s1;
	[sflag:s0] =	ssyncset.done @!p0 $0x0  }
0xab: {  	[sflag:s0] =	ssyncadd.s32 @!p0 s1  }
0xac: {  	[bflag:$0x3] =	sbarrier.arrive $0xFFFF  }
0xad: {  	_ =	shalt  }

</sc_bundles>
